<compile_context>
chip_gen: v7x
topology: tpu7x:2x2x1
jax: 0.10.2.dev20260603
libtpu: 0.0.44.dev20260713+nightly
codegen_flags: <defaults>
</compile_context>

<pallas_src>
import functools

import jax
import jax.numpy as jnp
from jax import lax
from jax.experimental import pallas as pl
from jax.experimental.pallas import tpu as pltpu
from jax.experimental.pallas import tpu_sc as plsc

N_NODES = 10000
IN_DIM = 128
HID_DIM = 256
LAT_DIM = 64
HALF = HID_DIM // 2

L = 16
NC = 2
NS = 16
CH = 128
GI = 40
AGG_CHUNKS = 160
DEG_CHUNKS = AGG_CHUNKS // 2
E_PAD = CH * AGG_CHUNKS * NS
N_PAD = 10240
ACC_D = N_PAD
ROWS_PT = N_PAD // NS
DEG_PT = ACC_D // NS

BLK = 1000

_mesh = lambda: plsc.VectorSubcoreMesh(core_axis_name="c", subcore_axis_name="s",
                                       num_cores=NC, num_subcores=NS)


@functools.cache
def _deg_kernel():
    return pl.kernel(
        _deg_body,
        out_type=(jax.ShapeDtypeStruct((ACC_D,), jnp.float32),
                  jax.ShapeDtypeStruct((ACC_D,), jnp.float32)),
        mesh=_mesh(),
        scratch_types=[
            pltpu.VMEM((DEG_CHUNKS, CH), jnp.int32),
            pltpu.VMEM((CH,), jnp.float32),
            pltpu.VMEM((DEG_PT,), jnp.float32),
            pltpu.VMEM_SHARED((ACC_D,), jnp.float32),
        ],
    )


def _deg_body(dst_hbm, out0_hbm, out1_hbm, didx, ones_v, bounce, hist):
    c = lax.axis_index("c")
    s = lax.axis_index("s")
    w = c * NS + s
    pltpu.sync_copy(dst_hbm.at[pl.ds(w * DEG_CHUNKS, DEG_CHUNKS)], didx)
    for k in range(CH // L):
        ones_v[pl.ds(k * L, L)] = jnp.ones((L,), jnp.float32)
    for k in range(DEG_PT // L):
        bounce[pl.ds(k * L, L)] = jnp.zeros((L,), jnp.float32)
    pltpu.sync_copy(bounce, hist.at[pl.ds(s * DEG_PT, DEG_PT)])
    plsc.subcore_barrier()

    def body(j, carry):
        pltpu.sync_copy(ones_v, hist.at[didx.at[j]], add=True)
        return carry

    lax.fori_loop(0, DEG_CHUNKS, body, 0)
    plsc.subcore_barrier()

    @pl.when(c == 0)
    def _():
        pltpu.sync_copy(hist.at[pl.ds(s * DEG_PT, DEG_PT)],
                        out0_hbm.at[pl.ds(s * DEG_PT, DEG_PT)])

    @pl.when(c == 1)
    def _():
        pltpu.sync_copy(hist.at[pl.ds(s * DEG_PT, DEG_PT)],
                        out1_hbm.at[pl.ds(s * DEG_PT, DEG_PT)])


@functools.cache
def _agg_kernel():
    return pl.kernel(
        _agg_body,
        out_type=jax.ShapeDtypeStruct((NC, N_PAD, HALF), jnp.float32),
        mesh=_mesh(),
        scratch_types=[
            pltpu.VMEM((GI, CH), jnp.int32),
            pltpu.VMEM((GI, CH), jnp.int32),
            pltpu.VMEM((CH, HALF), jnp.float32),
            pltpu.VMEM((CH, HALF), jnp.float32),
            pltpu.VMEM_SHARED((ACC_D, HALF), jnp.float32),
            pltpu.SemaphoreType.DMA,
            pltpu.SemaphoreType.DMA,
        ],
    )


def _agg_body(hp_hbm, sidx_hbm, didx_hbm, out_hbm, sidx, didx, rows0, rows1,
              acc, sem0, sem1):
    c = lax.axis_index("c")
    s = lax.axis_index("s")
    pltpu.sync_copy(hp_hbm.at[pl.ds(c * N_PAD + s * ROWS_PT, ROWS_PT)],
                    acc.at[pl.ds(s * ROWS_PT, ROWS_PT)])
    plsc.subcore_barrier()

    def outer(g, carry):
        base = s * AGG_CHUNKS + g * GI
        pltpu.sync_copy(sidx_hbm.at[c, pl.ds(base, GI)], sidx)
        pltpu.sync_copy(didx_hbm.at[pl.ds(base, GI)], didx)
        pltpu.async_copy(hp_hbm.at[sidx.at[0]], rows0, sem0)

        def inner(k, carry2):
            j0 = 2 * k
            pltpu.make_async_copy(hp_hbm.at[sidx.at[0]], rows0, sem0).wait()
            pltpu.async_copy(hp_hbm.at[sidx.at[j0 + 1]], rows1, sem1)
            pltpu.sync_copy(rows0, acc.at[didx.at[j0]], add=True)
            pltpu.make_async_copy(hp_hbm.at[sidx.at[0]], rows1, sem1).wait()

            @pl.when(j0 + 2 < GI)
            def _prefetch():
                pltpu.async_copy(hp_hbm.at[sidx.at[j0 + 2]], rows0, sem0)

            pltpu.sync_copy(rows1, acc.at[didx.at[j0 + 1]], add=True)
            return carry2

        lax.fori_loop(0, GI // 2, inner, 0)
        return carry

    lax.fori_loop(0, AGG_CHUNKS // GI, outer, 0)
    plsc.subcore_barrier()
    pltpu.sync_copy(acc.at[pl.ds(s * ROWS_PT, ROWS_PT)],
                    out_hbm.at[c, pl.ds(s * ROWS_PT, ROWS_PT)])


def _tca_body(x_ref, w_ref, degp_ref, out_ref):
    deg = degp_ref[0] + degp_ref[1] + 1.0
    dis = lax.rsqrt(deg)
    h = jnp.dot(x_ref[...], w_ref[...], preferred_element_type=jnp.float32)
    out_ref[...] = (h * dis)[None]


def _tca(x, w_gcn, degp3):
    return pl.pallas_call(
        _tca_body,
        grid=(NC, N_NODES // BLK),
        in_specs=[
            pl.BlockSpec((BLK, IN_DIM), lambda c, i: (i, 0)),
            pl.BlockSpec((IN_DIM, HALF), lambda c, i: (0, c)),
            pl.BlockSpec((NC, BLK, 1), lambda c, i: (0, i, 0)),
        ],
        out_specs=pl.BlockSpec((1, BLK, HALF), lambda c, i: (c, i, 0)),
        out_shape=jax.ShapeDtypeStruct((NC, N_PAD, HALF), jnp.float32),
    )(x, w_gcn, degp3)


def _tcb_body(agg_ref, degp_ref, bg_ref, we_ref, be_ref, wd1_ref, bd1_ref,
              wd2_ref, bd2_ref, recon_ref, lat_ref):
    deg = degp_ref[0] + degp_ref[1] + 1.0
    dis = lax.rsqrt(deg)
    g = jnp.concatenate([agg_ref[0], agg_ref[1]], axis=1)
    h = jnp.maximum(g * dis + bg_ref[...], 0.0)
    lat = jnp.dot(h, we_ref[...], preferred_element_type=jnp.float32) + be_ref[...]
    d = jnp.maximum(
        jnp.dot(lat, wd1_ref[...], preferred_element_type=jnp.float32) + bd1_ref[...], 0.0)
    recon = jnp.dot(d, wd2_ref[...], preferred_element_type=jnp.float32) + bd2_ref[...]
    recon_ref[...] = recon
    lat_ref[...] = lat


def _tcb(agg, degp3, b_gcn, w_enc, b_enc, w_dec1, b_dec1, w_dec2, b_dec2):
    full = lambda shape: pl.BlockSpec(shape, lambda i: tuple(0 for _ in shape))
    return pl.pallas_call(
        _tcb_body,
        grid=(N_NODES // BLK,),
        in_specs=[
            pl.BlockSpec((NC, BLK, HALF), lambda i: (0, i, 0)),
            pl.BlockSpec((NC, BLK, 1), lambda i: (0, i, 0)),
            full((1, HID_DIM)),
            full((HID_DIM, LAT_DIM)),
            full((1, LAT_DIM)),
            full((LAT_DIM, HID_DIM)),
            full((1, HID_DIM)),
            full((HID_DIM, IN_DIM)),
            full((1, IN_DIM)),
        ],
        out_specs=[
            pl.BlockSpec((BLK, IN_DIM), lambda i: (i, 0)),
            pl.BlockSpec((BLK, LAT_DIM), lambda i: (i, 0)),
        ],
        out_shape=[
            jax.ShapeDtypeStruct((N_NODES, IN_DIM), jnp.float32),
            jax.ShapeDtypeStruct((N_NODES, LAT_DIM), jnp.float32),
        ],
    )(agg, degp3, b_gcn, w_enc, b_enc, w_dec1, b_dec1, w_dec2, b_dec2)


def kernel(x, edge_index, W_gcn, b_gcn, W_enc, b_enc, W_dec1, b_dec1, W_dec2, b_dec2):
    ei = edge_index.astype(jnp.int32)
    src, dst = ei[0], ei[1]
    n_edges = src.shape[0]
    pad = E_PAD - n_edges
    src_p = jnp.concatenate([src, jnp.zeros((pad,), jnp.int32)])
    dst_p = jnp.concatenate([dst, jnp.full((pad,), N_NODES, jnp.int32)])
    sidx2 = jnp.stack([src_p, src_p + N_PAD]).reshape(NC, NS * AGG_CHUNKS, CH)
    didx2 = dst_p.reshape(NS * AGG_CHUNKS, CH)

    dp0, dp1 = _deg_kernel()(didx2)
    degp3 = jnp.stack([dp0, dp1])[:, :, None]

    hp = _tca(x, W_gcn, degp3)
    hpf = hp.reshape(NC * N_PAD, HALF)

    agg = _agg_kernel()(hpf, sidx2, didx2)

    recon, latent = _tcb(agg, degp3, b_gcn.reshape(1, -1), W_enc,
                         b_enc.reshape(1, -1), W_dec1, b_dec1.reshape(1, -1),
                         W_dec2, b_dec2.reshape(1, -1))
    return recon, latent

# --- scband reference (transcript-rebuilt; emitter-appended) ---
"""Pipeline reference for scband-gnnautoencoder-30597347017287 (READ-ONLY COPY).

The authoritative reference and input builder live on the scoring server;
editing this copy changes nothing except your own understanding.
"""

import jax, jax.numpy as jnp
import numpy as np

N_NODES = 10000
N_EDGES = 320000
IN_DIM = 128
HID_DIM = 256
LAT_DIM = 64


def setup_inputs(seed: int = 0) -> dict:
    key = jax.random.key(seed)
    ks = jax.random.split(key, 10)
    x = jax.random.normal(ks[0], (N_NODES, IN_DIM), dtype=jnp.float32)
    edge_index = jax.random.randint(ks[1], (2, N_EDGES), 0, N_NODES, dtype=jnp.int64)
    # GCNConv params (glorot-style scale)
    W_gcn = jax.random.normal(ks[2], (IN_DIM, HID_DIM), dtype=jnp.float32) * (1.0 / np.sqrt(IN_DIM))
    b_gcn = jnp.zeros((HID_DIM,), dtype=jnp.float32)
    # encoder linear hidden -> latent
    W_enc = jax.random.normal(ks[3], (HID_DIM, LAT_DIM), dtype=jnp.float32) * (1.0 / np.sqrt(HID_DIM))
    b_enc = jnp.zeros((LAT_DIM,), dtype=jnp.float32)
    # decoder: latent -> hidden -> input
    W_dec1 = jax.random.normal(ks[4], (LAT_DIM, HID_DIM), dtype=jnp.float32) * (1.0 / np.sqrt(LAT_DIM))
    b_dec1 = jnp.zeros((HID_DIM,), dtype=jnp.float32)
    W_dec2 = jax.random.normal(ks[5], (HID_DIM, IN_DIM), dtype=jnp.float32) * (1.0 / np.sqrt(HID_DIM))
    b_dec2 = jnp.zeros((IN_DIM,), dtype=jnp.float32)
    return {
        'x': x, 'edge_index': edge_index,
        'W_gcn': W_gcn, 'b_gcn': b_gcn,
        'W_enc': W_enc, 'b_enc': b_enc,
        'W_dec1': W_dec1, 'b_dec1': b_dec1,
        'W_dec2': W_dec2, 'b_dec2': b_dec2,
    }


def _gcn_conv(x, edge_index, W, b):
    # PyG-style GCNConv: add self-loops, symmetric degree normalization,
    # linear transform, then scatter-add aggregation over edges.
    N = x.shape[0]
    loop = jnp.arange(N, dtype=edge_index.dtype)
    src = jnp.concatenate([edge_index[0], loop])
    dst = jnp.concatenate([edge_index[1], loop])
    deg = jnp.zeros((N,), dtype=jnp.float32).at[dst].add(1.0)
    deg_inv_sqrt = jnp.where(deg > 0, 1.0 / jnp.sqrt(deg), 0.0)
    norm = deg_inv_sqrt[src] * deg_inv_sqrt[dst]
    h = x @ W  # [N, hid]
    msg = h[src] * norm[:, None]  # gather
    out = jnp.zeros((N, h.shape[1]), dtype=h.dtype).at[dst].add(msg)  # scatter-add
    return out + b


def reference(x, edge_index, W_gcn, b_gcn, W_enc, b_enc, W_dec1, b_dec1, W_dec2, b_dec2):
    # Eval-mode forward: dropout and edge_dropout are identity.
    h = _gcn_conv(x, edge_index, W_gcn, b_gcn)
    h = jax.nn.relu(h)
    latent = h @ W_enc + b_enc
    d = jax.nn.relu(latent @ W_dec1 + b_dec1)
    recon = d @ W_dec2 + b_dec2
    return recon, latent

if __name__ == "__main__":
    import jax
    _d = setup_inputs()
    print(jax.jit(kernel)(*tuple(_d.values())))

</pallas_src>

<mosaic_0001>
#map = affine_map<(d0, d1) -> (0, 0)>
#map1 = affine_map<(d0, d1) -> (0)>
module attributes {stable_mosaic.version = 14 : i64} {
  func.func @_deg_body(%arg0: i32, %arg1: i32, %arg2: memref<2560x128xi32, #tpu.memory_space<hbm>>, %arg3: memref<10240xf32, #tpu.memory_space<hbm>>, %arg4: memref<10240xf32, #tpu.memory_space<hbm>>, %arg5: memref<80x128xi32, #tpu.memory_space<vmem>>, %arg6: memref<128xf32, #tpu.memory_space<vmem>>, %arg7: memref<640xf32, #tpu.memory_space<vmem>>, %arg8: memref<10240xf32, #tpu.memory_space<vmem_shared>>) attributes {dimension_semantics = [#tpu.dimension_semantics<core_parallel>, #tpu.dimension_semantics<subcore_parallel>], iteration_bounds = array<i64: 2, 16>, scalar_prefetch = 0 : i64, scratch_operands = 4 : i64, tpu.core_type = #tpu.core_type<sc_vector_subcore>, window_params = [{transform_indices = #map}, {transform_indices = #map1}, {transform_indices = #map1}]} {
    %mul3A = arith.constant 16 : i32
    %mul3A_0 = arith.muli %arg0, %mul3A : i32
    %add3A = arith.addi %mul3A_0, %arg1 : i32
    %mul3A_1 = arith.constant 80 : i32
    %mul3A_2 = arith.muli %add3A, %mul3A_1 : i32
    "tpu.region"() ({
      %run_scoped3A = tpu.sem_alloc : memref<!tpu.dma_semaphore, #tpu.memory_space<semaphore_mem>>
      %dma_start3A = arith.constant 0 : i32
      %dma_start3A_304 = tpu.memref_slice %arg2[%mul3A_2, %dma_start3A] : memref<2560x128xi32, #tpu.memory_space<hbm>> -> memref<80x128xi32, #tpu.memory_space<hbm>>
      %dma_start3A_305 = arith.constant 0 : i32
      %dma_start3A_306 = tpu.memref_slice %arg2[%mul3A_2, %dma_start3A_305] : memref<2560x128xi32, #tpu.memory_space<hbm>> -> memref<80x128xi32, #tpu.memory_space<hbm>>
      tpu.enqueue_dma source(%dma_start3A_306 : memref<80x128xi32, #tpu.memory_space<hbm>>) target(%arg5 : memref<80x128xi32, #tpu.memory_space<vmem>>) target_semaphore(%run_scoped3A : memref<!tpu.dma_semaphore, #tpu.memory_space<semaphore_mem>>)
      %dma_wait3A = arith.constant 0 : i32
      %dma_wait3A_307 = tpu.memref_slice %arg2[%mul3A_2, %dma_wait3A] : memref<2560x128xi32, #tpu.memory_space<hbm>> -> memref<80x128xi32, #tpu.memory_space<hbm>>
      %dma_wait3A_308 = arith.constant 0 : i32
      %dma_wait3A_309 = tpu.memref_slice %arg2[%mul3A_2, %dma_wait3A_308] : memref<2560x128xi32, #tpu.memory_space<hbm>> -> memref<80x128xi32, #tpu.memory_space<hbm>>
      tpu.wait_dma2 semaphore(%run_scoped3A : memref<!tpu.dma_semaphore, #tpu.memory_space<semaphore_mem>>) src(%dma_wait3A_309 : memref<80x128xi32, #tpu.memory_space<hbm>>) dst(%arg5 : memref<80x128xi32, #tpu.memory_space<vmem>>)
      tpu.yield
    }) : () -> ()
    %broadcast_in_dim3A = arith.constant 1.000000e+00 : f32
    %broadcast_in_dim3A_3 = vector.broadcast %broadcast_in_dim3A : f32 to vector<16xf32>
    %swap3A = arith.constant 0 : index
    %swap3A_4 = tpu.vector_load %arg6[%swap3A] {strides = array<i32>} : memref<128xf32, #tpu.memory_space<vmem>>, vector<16xf32>,
    %swap3A_5 = vector.shape_cast %swap3A_4 : vector<16xf32> to vector<16xf32>
    %swap3A_6 = vector.shape_cast %broadcast_in_dim3A_3 : vector<16xf32> to vector<16xf32>
    tpu.vector_store %arg6[%swap3A], %swap3A_6 {strides = array<i32>} : memref<128xf32, #tpu.memory_space<vmem>>, vector<16xf32>,
    %broadcast_in_dim3A_7 = arith.constant 1.000000e+00 : f32
    %broadcast_in_dim3A_8 = vector.broadcast %broadcast_in_dim3A_7 : f32 to vector<16xf32>
    %swap3A_9 = arith.constant 16 : index
    %swap3A_10 = tpu.vector_load %arg6[%swap3A_9] {strides = array<i32>} : memref<128xf32, #tpu.memory_space<vmem>>, vector<16xf32>,
    %swap3A_11 = vector.shape_cast %swap3A_10 : vector<16xf32> to vector<16xf32>
    %swap3A_12 = vector.shape_cast %broadcast_in_dim3A_8 : vector<16xf32> to vector<16xf32>
    tpu.vector_store %arg6[%swap3A_9], %swap3A_12 {strides = array<i32>} : memref<128xf32, #tpu.memory_space<vmem>>, vector<16xf32>,
    %broadcast_in_dim3A_13 = arith.constant 1.000000e+00 : f32
    %broadcast_in_dim3A_14 = vector.broadcast %broadcast_in_dim3A_13 : f32 to vector<16xf32>
    %swap3A_15 = arith.constant 32 : index
    %swap3A_16 = tpu.vector_load %arg6[%swap3A_15] {strides = array<i32>} : memref<128xf32, #tpu.memory_space<vmem>>, vector<16xf32>,
    %swap3A_17 = vector.shape_cast %swap3A_16 : vector<16xf32> to vector<16xf32>
    %swap3A_18 = vector.shape_cast %broadcast_in_dim3A_14 : vector<16xf32> to vector<16xf32>
    tpu.vector_store %arg6[%swap3A_15], %swap3A_18 {strides = array<i32>} : memref<128xf32, #tpu.memory_space<vmem>>, vector<16xf32>,
    %broadcast_in_dim3A_19 = arith.constant 1.000000e+00 : f32
    %broadcast_in_dim3A_20 = vector.broadcast %broadcast_in_dim3A_19 : f32 to vector<16xf32>
    %swap3A_21 = arith.constant 48 : index
    %swap3A_22 = tpu.vector_load %arg6[%swap3A_21] {strides = array<i32>} : memref<128xf32, #tpu.memory_space<vmem>>, vector<16xf32>,
    %swap3A_23 = vector.shape_cast %swap3A_22 : vector<16xf32> to vector<16xf32>
    %swap3A_24 = vector.shape_cast %broadcast_in_dim3A_20 : vector<16xf32> to vector<16xf32>
    tpu.vector_store %arg6[%swap3A_21], %swap3A_24 {strides = array<i32>} : memref<128xf32, #tpu.memory_space<vmem>>, vector<16xf32>,
    %broadcast_in_dim3A_25 = arith.constant 1.000000e+00 : f32
    %broadcast_in_dim3A_26 = vector.broadcast %broadcast_in_dim3A_25 : f32 to vector<16xf32>
    %swap3A_27 = arith.constant 64 : index
    %swap3A_28 = tpu.vector_load %arg6[%swap3A_27] {strides = array<i32>} : memref<128xf32, #tpu.memory_space<vmem>>, vector<16xf32>,
    %swap3A_29 = vector.shape_cast %swap3A_28 : vector<16xf32> to vector<16xf32>
    %swap3A_30 = vector.shape_cast %broadcast_in_dim3A_26 : vector<16xf32> to vector<16xf32>
    tpu.vector_store %arg6[%swap3A_27], %swap3A_30 {strides = array<i32>} : memref<128xf32, #tpu.memory_space<vmem>>, vector<16xf32>,
    %broadcast_in_dim3A_31 = arith.constant 1.000000e+00 : f32
    %broadcast_in_dim3A_32 = vector.broadcast %broadcast_in_dim3A_31 : f32 to vector<16xf32>
    %swap3A_33 = arith.constant 80 : index
    %swap3A_34 = tpu.vector_load %arg6[%swap3A_33] {strides = array<i32>} : memref<128xf32, #tpu.memory_space<vmem>>, vector<16xf32>,
    %swap3A_35 = vector.shape_cast %swap3A_34 : vector<16xf32> to vector<16xf32>
    %swap3A_36 = vector.shape_cast %broadcast_in_dim3A_32 : vector<16xf32> to vector<16xf32>
    tpu.vector_store %arg6[%swap3A_33], %swap3A_36 {strides = array<i32>} : memref<128xf32, #tpu.memory_space<vmem>>, vector<16xf32>,
    %broadcast_in_dim3A_37 = arith.constant 1.000000e+00 : f32
    %broadcast_in_dim3A_38 = vector.broadcast %broadcast_in_dim3A_37 : f32 to vector<16xf32>
    %swap3A_39 = arith.constant 96 : index
    %swap3A_40 = tpu.vector_load %arg6[%swap3A_39] {strides = array<i32>} : memref<128xf32, #tpu.memory_space<vmem>>, vector<16xf32>,
    %swap3A_41 = vector.shape_cast %swap3A_40 : vector<16xf32> to vector<16xf32>
    %swap3A_42 = vector.shape_cast %broadcast_in_dim3A_38 : vector<16xf32> to vector<16xf32>
    tpu.vector_store %arg6[%swap3A_39], %swap3A_42 {strides = array<i32>} : memref<128xf32, #tpu.memory_space<vmem>>, vector<16xf32>,
    %broadcast_in_dim3A_43 = arith.constant 1.000000e+00 : f32
    %broadcast_in_dim3A_44 = vector.broadcast %broadcast_in_dim3A_43 : f32 to vector<16xf32>
    %swap3A_45 = arith.constant 112 : index
    %swap3A_46 = tpu.vector_load %arg6[%swap3A_45] {strides = array<i32>} : memref<128xf32, #tpu.memory_space<vmem>>, vector<16xf32>,
    %swap3A_47 = vector.shape_cast %swap3A_46 : vector<16xf32> to vector<16xf32>
    %swap3A_48 = vector.shape_cast %broadcast_in_dim3A_44 : vector<16xf32> to vector<16xf32>
    tpu.vector_store %arg6[%swap3A_45], %swap3A_48 {strides = array<i32>} : memref<128xf32, #tpu.memory_space<vmem>>, vector<16xf32>,
    %broadcast_in_dim3A_49 = arith.constant 0.000000e+00 : f32
    %broadcast_in_dim3A_50 = vector.broadcast %broadcast_in_dim3A_49 : f32 to vector<16xf32>
    %swap3A_51 = arith.constant 0 : index
    %swap3A_52 = tpu.vector_load %arg7[%swap3A_51] {strides = array<i32>} : memref<640xf32, #tpu.memory_space<vmem>>, vector<16xf32>,
    %swap3A_53 = vector.shape_cast %swap3A_52 : vector<16xf32> to vector<16xf32>
    %swap3A_54 = vector.shape_cast %broadcast_in_dim3A_50 : vector<16xf32> to vector<16xf32>
    tpu.vector_store %arg7[%swap3A_51], %swap3A_54 {strides = array<i32>} : memref<640xf32, #tpu.memory_space<vmem>>, vector<16xf32>,
    %broadcast_in_dim3A_55 = arith.constant 0.000000e+00 : f32
    %broadcast_in_dim3A_56 = vector.broadcast %broadcast_in_dim3A_55 : f32 to vector<16xf32>
    %swap3A_57 = arith.constant 16 : index
    %swap3A_58 = tpu.vector_load %arg7[%swap3A_57] {strides = array<i32>} : memref<640xf32, #tpu.memory_space<vmem>>, vector<16xf32>,
    %swap3A_59 = vector.shape_cast %swap3A_58 : vector<16xf32> to vector<16xf32>
    %swap3A_60 = vector.shape_cast %broadcast_in_dim3A_56 : vector<16xf32> to vector<16xf32>
    tpu.vector_store %arg7[%swap3A_57], %swap3A_60 {strides = array<i32>} : memref<640xf32, #tpu.memory_space<vmem>>, vector<16xf32>,
    %broadcast_in_dim3A_61 = arith.constant 0.000000e+00 : f32
    %broadcast_in_dim3A_62 = vector.broadcast %broadcast_in_dim3A_61 : f32 to vector<16xf32>
    %swap3A_63 = arith.constant 32 : index
    %swap3A_64 = tpu.vector_load %arg7[%swap3A_63] {strides = array<i32>} : memref<640xf32, #tpu.memory_space<vmem>>, vector<16xf32>,
    %swap3A_65 = vector.shape_cast %swap3A_64 : vector<16xf32> to vector<16xf32>
    %swap3A_66 = vector.shape_cast %broadcast_in_dim3A_62 : vector<16xf32> to vector<16xf32>
    tpu.vector_store %arg7[%swap3A_63], %swap3A_66 {strides = array<i32>} : memref<640xf32, #tpu.memory_space<vmem>>, vector<16xf32>,
    %broadcast_in_dim3A_67 = arith.constant 0.000000e+00 : f32
    %broadcast_in_dim3A_68 = vector.broadcast %broadcast_in_dim3A_67 : f32 to vector<16xf32>
    %swap3A_69 = arith.constant 48 : index
    %swap3A_70 = tpu.vector_load %arg7[%swap3A_69] {strides = array<i32>} : memref<640xf32, #tpu.memory_space<vmem>>, vector<16xf32>,
    %swap3A_71 = vector.shape_cast %swap3A_70 : vector<16xf32> to vector<16xf32>
    %swap3A_72 = vector.shape_cast %broadcast_in_dim3A_68 : vector<16xf32> to vector<16xf32>
    tpu.vector_store %arg7[%swap3A_69], %swap3A_72 {strides = array<i32>} : memref<640xf32, #tpu.memory_space<vmem>>, vector<16xf32>,
    %broadcast_in_dim3A_73 = arith.constant 0.000000e+00 : f32
    %broadcast_in_dim3A_74 = vector.broadcast %broadcast_in_dim3A_73 : f32 to vector<16xf32>
    %swap3A_75 = arith.constant 64 : index
    %swap3A_76 = tpu.vector_load %arg7[%swap3A_75] {strides = array<i32>} : memref<640xf32, #tpu.memory_space<vmem>>, vector<16xf32>,
    %swap3A_77 = vector.shape_cast %swap3A_76 : vector<16xf32> to vector<16xf32>
    %swap3A_78 = vector.shape_cast %broadcast_in_dim3A_74 : vector<16xf32> to vector<16xf32>
    tpu.vector_store %arg7[%swap3A_75], %swap3A_78 {strides = array<i32>} : memref<640xf32, #tpu.memory_space<vmem>>, vector<16xf32>,
    %broadcast_in_dim3A_79 = arith.constant 0.000000e+00 : f32
    %broadcast_in_dim3A_80 = vector.broadcast %broadcast_in_dim3A_79 : f32 to vector<16xf32>
    %swap3A_81 = arith.constant 80 : index
    %swap3A_82 = tpu.vector_load %arg7[%swap3A_81] {strides = array<i32>} : memref<640xf32, #tpu.memory_space<vmem>>, vector<16xf32>,
    %swap3A_83 = vector.shape_cast %swap3A_82 : vector<16xf32> to vector<16xf32>
    %swap3A_84 = vector.shape_cast %broadcast_in_dim3A_80 : vector<16xf32> to vector<16xf32>
    tpu.vector_store %arg7[%swap3A_81], %swap3A_84 {strides = array<i32>} : memref<640xf32, #tpu.memory_space<vmem>>, vector<16xf32>,
    %broadcast_in_dim3A_85 = arith.constant 0.000000e+00 : f32
    %broadcast_in_dim3A_86 = vector.broadcast %broadcast_in_dim3A_85 : f32 to vector<16xf32>
    %swap3A_87 = arith.constant 96 : index
    %swap3A_88 = tpu.vector_load %arg7[%swap3A_87] {strides = array<i32>} : memref<640xf32, #tpu.memory_space<vmem>>, vector<16xf32>,
    %swap3A_89 = vector.shape_cast %swap3A_88 : vector<16xf32> to vector<16xf32>
    %swap3A_90 = vector.shape_cast %broadcast_in_dim3A_86 : vector<16xf32> to vector<16xf32>
    tpu.vector_store %arg7[%swap3A_87], %swap3A_90 {strides = array<i32>} : memref<640xf32, #tpu.memory_space<vmem>>, vector<16xf32>,
    %broadcast_in_dim3A_91 = arith.constant 0.000000e+00 : f32
    %broadcast_in_dim3A_92 = vector.broadcast %broadcast_in_dim3A_91 : f32 to vector<16xf32>
    %swap3A_93 = arith.constant 112 : index
    %swap3A_94 = tpu.vector_load %arg7[%swap3A_93] {strides = array<i32>} : memref<640xf32, #tpu.memory_space<vmem>>, vector<16xf32>,
    %swap3A_95 = vector.shape_cast %swap3A_94 : vector<16xf32> to vector<16xf32>
    %swap3A_96 = vector.shape_cast %broadcast_in_dim3A_92 : vector<16xf32> to vector<16xf32>
    tpu.vector_store %arg7[%swap3A_93], %swap3A_96 {strides = array<i32>} : memref<640xf32, #tpu.memory_space<vmem>>, vector<16xf32>,
    %broadcast_in_dim3A_97 = arith.constant 0.000000e+00 : f32
    %broadcast_in_dim3A_98 = vector.broadcast %broadcast_in_dim3A_97 : f32 to vector<16xf32>
    %swap3A_99 = arith.constant 128 : index
    %swap3A_100 = tpu.vector_load %arg7[%swap3A_99] {strides = array<i32>} : memref<640xf32, #tpu.memory_space<vmem>>, vector<16xf32>,
    %swap3A_101 = vector.shape_cast %swap3A_100 : vector<16xf32> to vector<16xf32>
    %swap3A_102 = vector.shape_cast %broadcast_in_dim3A_98 : vector<16xf32> to vector<16xf32>
    tpu.vector_store %arg7[%swap3A_99], %swap3A_102 {strides = array<i32>} : memref<640xf32, #tpu.memory_space<vmem>>, vector<16xf32>,
    %broadcast_in_dim3A_103 = arith.constant 0.000000e+00 : f32
    %broadcast_in_dim3A_104 = vector.broadcast %broadcast_in_dim3A_103 : f32 to vector<16xf32>
    %swap3A_105 = arith.constant 144 : index
    %swap3A_106 = tpu.vector_load %arg7[%swap3A_105] {strides = array<i32>} : memref<640xf32, #tpu.memory_space<vmem>>, vector<16xf32>,
    %swap3A_107 = vector.shape_cast %swap3A_106 : vector<16xf32> to vector<16xf32>
    %swap3A_108 = vector.shape_cast %broadcast_in_dim3A_104 : vector<16xf32> to vector<16xf32>
    tpu.vector_store %arg7[%swap3A_105], %swap3A_108 {strides = array<i32>} : memref<640xf32, #tpu.memory_space<vmem>>, vector<16xf32>,
    %broadcast_in_dim3A_109 = arith.constant 0.000000e+00 : f32
    %broadcast_in_dim3A_110 = vector.broadcast %broadcast_in_dim3A_109 : f32 to vector<16xf32>
    %swap3A_111 = arith.constant 160 : index
    %swap3A_112 = tpu.vector_load %arg7[%swap3A_111] {strides = array<i32>} : memref<640xf32, #tpu.memory_space<vmem>>, vector<16xf32>,
    %swap3A_113 = vector.shape_cast %swap3A_112 : vector<16xf32> to vector<16xf32>
    %swap3A_114 = vector.shape_cast %broadcast_in_dim3A_110 : vector<16xf32> to vector<16xf32>
    tpu.vector_store %arg7[%swap3A_111], %swap3A_114 {strides = array<i32>} : memref<640xf32, #tpu.memory_space<vmem>>, vector<16xf32>,
    %broadcast_in_dim3A_115 = arith.constant 0.000000e+00 : f32
    %broadcast_in_dim3A_116 = vector.broadcast %broadcast_in_dim3A_115 : f32 to vector<16xf32>
    %swap3A_117 = arith.constant 176 : index
    %swap3A_118 = tpu.vector_load %arg7[%swap3A_117] {strides = array<i32>} : memref<640xf32, #tpu.memory_space<vmem>>, vector<16xf32>,
    %swap3A_119 = vector.shape_cast %swap3A_118 : vector<16xf32> to vector<16xf32>
    %swap3A_120 = vector.shape_cast %broadcast_in_dim3A_116 : vector<16xf32> to vector<16xf32>
    tpu.vector_store %arg7[%swap3A_117], %swap3A_120 {strides = array<i32>} : memref<640xf32, #tpu.memory_space<vmem>>, vector<16xf32>,
    %broadcast_in_dim3A_121 = arith.constant 0.000000e+00 : f32
    %broadcast_in_dim3A_122 = vector.broadcast %broadcast_in_dim3A_121 : f32 to vector<16xf32>
    %swap3A_123 = arith.constant 192 : index
    %swap3A_124 = tpu.vector_load %arg7[%swap3A_123] {strides = array<i32>} : memref<640xf32, #tpu.memory_space<vmem>>, vector<16xf32>,
    %swap3A_125 = vector.shape_cast %swap3A_124 : vector<16xf32> to vector<16xf32>
    %swap3A_126 = vector.shape_cast %broadcast_in_dim3A_122 : vector<16xf32> to vector<16xf32>
    tpu.vector_store %arg7[%swap3A_123], %swap3A_126 {strides = array<i32>} : memref<640xf32, #tpu.memory_space<vmem>>, vector<16xf32>,
    %broadcast_in_dim3A_127 = arith.constant 0.000000e+00 : f32
    %broadcast_in_dim3A_128 = vector.broadcast %broadcast_in_dim3A_127 : f32 to vector<16xf32>
    %swap3A_129 = arith.constant 208 : index
    %swap3A_130 = tpu.vector_load %arg7[%swap3A_129] {strides = array<i32>} : memref<640xf32, #tpu.memory_space<vmem>>, vector<16xf32>,
    %swap3A_131 = vector.shape_cast %swap3A_130 : vector<16xf32> to vector<16xf32>
    %swap3A_132 = vector.shape_cast %broadcast_in_dim3A_128 : vector<16xf32> to vector<16xf32>
    tpu.vector_store %arg7[%swap3A_129], %swap3A_132 {strides = array<i32>} : memref<640xf32, #tpu.memory_space<vmem>>, vector<16xf32>,
    %broadcast_in_dim3A_133 = arith.constant 0.000000e+00 : f32
    %broadcast_in_dim3A_134 = vector.broadcast %broadcast_in_dim3A_133 : f32 to vector<16xf32>
    %swap3A_135 = arith.constant 224 : index
    %swap3A_136 = tpu.vector_load %arg7[%swap3A_135] {strides = array<i32>} : memref<640xf32, #tpu.memory_space<vmem>>, vector<16xf32>,
    %swap3A_137 = vector.shape_cast %swap3A_136 : vector<16xf32> to vector<16xf32>
    %swap3A_138 = vector.shape_cast %broadcast_in_dim3A_134 : vector<16xf32> to vector<16xf32>
    tpu.vector_store %arg7[%swap3A_135], %swap3A_138 {strides = array<i32>} : memref<640xf32, #tpu.memory_space<vmem>>, vector<16xf32>,
    %broadcast_in_dim3A_139 = arith.constant 0.000000e+00 : f32
    %broadcast_in_dim3A_140 = vector.broadcast %broadcast_in_dim3A_139 : f32 to vector<16xf32>
    %swap3A_141 = arith.constant 240 : index
    %swap3A_142 = tpu.vector_load %arg7[%swap3A_141] {strides = array<i32>} : memref<640xf32, #tpu.memory_space<vmem>>, vector<16xf32>,
    %swap3A_143 = vector.shape_cast %swap3A_142 : vector<16xf32> to vector<16xf32>
    %swap3A_144 = vector.shape_cast %broadcast_in_dim3A_140 : vector<16xf32> to vector<16xf32>
    tpu.vector_store %arg7[%swap3A_141], %swap3A_144 {strides = array<i32>} : memref<640xf32, #tpu.memory_space<vmem>>, vector<16xf32>,
    %broadcast_in_dim3A_145 = arith.constant 0.000000e+00 : f32
    %broadcast_in_dim3A_146 = vector.broadcast %broadcast_in_dim3A_145 : f32 to vector<16xf32>
    %swap3A_147 = arith.constant 256 : index
    %swap3A_148 = tpu.vector_load %arg7[%swap3A_147] {strides = array<i32>} : memref<640xf32, #tpu.memory_space<vmem>>, vector<16xf32>,
    %swap3A_149 = vector.shape_cast %swap3A_148 : vector<16xf32> to vector<16xf32>
    %swap3A_150 = vector.shape_cast %broadcast_in_dim3A_146 : vector<16xf32> to vector<16xf32>
    tpu.vector_store %arg7[%swap3A_147], %swap3A_150 {strides = array<i32>} : memref<640xf32, #tpu.memory_space<vmem>>, vector<16xf32>,
    %broadcast_in_dim3A_151 = arith.constant 0.000000e+00 : f32
    %broadcast_in_dim3A_152 = vector.broadcast %broadcast_in_dim3A_151 : f32 to vector<16xf32>
    %swap3A_153 = arith.constant 272 : index
    %swap3A_154 = tpu.vector_load %arg7[%swap3A_153] {strides = array<i32>} : memref<640xf32, #tpu.memory_space<vmem>>, vector<16xf32>,
    %swap3A_155 = vector.shape_cast %swap3A_154 : vector<16xf32> to vector<16xf32>
    %swap3A_156 = vector.shape_cast %broadcast_in_dim3A_152 : vector<16xf32> to vector<16xf32>
    tpu.vector_store %arg7[%swap3A_153], %swap3A_156 {strides = array<i32>} : memref<640xf32, #tpu.memory_space<vmem>>, vector<16xf32>,
    %broadcast_in_dim3A_157 = arith.constant 0.000000e+00 : f32
    %broadcast_in_dim3A_158 = vector.broadcast %broadcast_in_dim3A_157 : f32 to vector<16xf32>
    %swap3A_159 = arith.constant 288 : index
    %swap3A_160 = tpu.vector_load %arg7[%swap3A_159] {strides = array<i32>} : memref<640xf32, #tpu.memory_space<vmem>>, vector<16xf32>,
    %swap3A_161 = vector.shape_cast %swap3A_160 : vector<16xf32> to vector<16xf32>
    %swap3A_162 = vector.shape_cast %broadcast_in_dim3A_158 : vector<16xf32> to vector<16xf32>
    tpu.vector_store %arg7[%swap3A_159], %swap3A_162 {strides = array<i32>} : memref<640xf32, #tpu.memory_space<vmem>>, vector<16xf32>,
    %broadcast_in_dim3A_163 = arith.constant 0.000000e+00 : f32
    %broadcast_in_dim3A_164 = vector.broadcast %broadcast_in_dim3A_163 : f32 to vector<16xf32>
    %swap3A_165 = arith.constant 304 : index
    %swap3A_166 = tpu.vector_load %arg7[%swap3A_165] {strides = array<i32>} : memref<640xf32, #tpu.memory_space<vmem>>, vector<16xf32>,
    %swap3A_167 = vector.shape_cast %swap3A_166 : vector<16xf32> to vector<16xf32>
    %swap3A_168 = vector.shape_cast %broadcast_in_dim3A_164 : vector<16xf32> to vector<16xf32>
    tpu.vector_store %arg7[%swap3A_165], %swap3A_168 {strides = array<i32>} : memref<640xf32, #tpu.memory_space<vmem>>, vector<16xf32>,
    %broadcast_in_dim3A_169 = arith.constant 0.000000e+00 : f32
    %broadcast_in_dim3A_170 = vector.broadcast %broadcast_in_dim3A_169 : f32 to vector<16xf32>
    %swap3A_171 = arith.constant 320 : index
    %swap3A_172 = tpu.vector_load %arg7[%swap3A_171] {strides = array<i32>} : memref<640xf32, #tpu.memory_space<vmem>>, vector<16xf32>,
    %swap3A_173 = vector.shape_cast %swap3A_172 : vector<16xf32> to vector<16xf32>
    %swap3A_174 = vector.shape_cast %broadcast_in_dim3A_170 : vector<16xf32> to vector<16xf32>
    tpu.vector_store %arg7[%swap3A_171], %swap3A_174 {strides = array<i32>} : memref<640xf32, #tpu.memory_space<vmem>>, vector<16xf32>,
    %broadcast_in_dim3A_175 = arith.constant 0.000000e+00 : f32
    %broadcast_in_dim3A_176 = vector.broadcast %broadcast_in_dim3A_175 : f32 to vector<16xf32>
    %swap3A_177 = arith.constant 336 : index
    %swap3A_178 = tpu.vector_load %arg7[%swap3A_177] {strides = array<i32>} : memref<640xf32, #tpu.memory_space<vmem>>, vector<16xf32>,
    %swap3A_179 = vector.shape_cast %swap3A_178 : vector<16xf32> to vector<16xf32>
    %swap3A_180 = vector.shape_cast %broadcast_in_dim3A_176 : vector<16xf32> to vector<16xf32>
    tpu.vector_store %arg7[%swap3A_177], %swap3A_180 {strides = array<i32>} : memref<640xf32, #tpu.memory_space<vmem>>, vector<16xf32>,
    %broadcast_in_dim3A_181 = arith.constant 0.000000e+00 : f32
    %broadcast_in_dim3A_182 = vector.broadcast %broadcast_in_dim3A_181 : f32 to vector<16xf32>
    %swap3A_183 = arith.constant 352 : index
    %swap3A_184 = tpu.vector_load %arg7[%swap3A_183] {strides = array<i32>} : memref<640xf32, #tpu.memory_space<vmem>>, vector<16xf32>,
    %swap3A_185 = vector.shape_cast %swap3A_184 : vector<16xf32> to vector<16xf32>
    %swap3A_186 = vector.shape_cast %broadcast_in_dim3A_182 : vector<16xf32> to vector<16xf32>
    tpu.vector_store %arg7[%swap3A_183], %swap3A_186 {strides = array<i32>} : memref<640xf32, #tpu.memory_space<vmem>>, vector<16xf32>,
    %broadcast_in_dim3A_187 = arith.constant 0.000000e+00 : f32
    %broadcast_in_dim3A_188 = vector.broadcast %broadcast_in_dim3A_187 : f32 to vector<16xf32>
    %swap3A_189 = arith.constant 368 : index
    %swap3A_190 = tpu.vector_load %arg7[%swap3A_189] {strides = array<i32>} : memref<640xf32, #tpu.memory_space<vmem>>, vector<16xf32>,
    %swap3A_191 = vector.shape_cast %swap3A_190 : vector<16xf32> to vector<16xf32>
    %swap3A_192 = vector.shape_cast %broadcast_in_dim3A_188 : vector<16xf32> to vector<16xf32>
    tpu.vector_store %arg7[%swap3A_189], %swap3A_192 {strides = array<i32>} : memref<640xf32, #tpu.memory_space<vmem>>, vector<16xf32>,
    %broadcast_in_dim3A_193 = arith.constant 0.000000e+00 : f32
    %broadcast_in_dim3A_194 = vector.broadcast %broadcast_in_dim3A_193 : f32 to vector<16xf32>
    %swap3A_195 = arith.constant 384 : index
    %swap3A_196 = tpu.vector_load %arg7[%swap3A_195] {strides = array<i32>} : memref<640xf32, #tpu.memory_space<vmem>>, vector<16xf32>,
    %swap3A_197 = vector.shape_cast %swap3A_196 : vector<16xf32> to vector<16xf32>
    %swap3A_198 = vector.shape_cast %broadcast_in_dim3A_194 : vector<16xf32> to vector<16xf32>
    tpu.vector_store %arg7[%swap3A_195], %swap3A_198 {strides = array<i32>} : memref<640xf32, #tpu.memory_space<vmem>>, vector<16xf32>,
    %broadcast_in_dim3A_199 = arith.constant 0.000000e+00 : f32
    %broadcast_in_dim3A_200 = vector.broadcast %broadcast_in_dim3A_199 : f32 to vector<16xf32>
    %swap3A_201 = arith.constant 400 : index
    %swap3A_202 = tpu.vector_load %arg7[%swap3A_201] {strides = array<i32>} : memref<640xf32, #tpu.memory_space<vmem>>, vector<16xf32>,
    %swap3A_203 = vector.shape_cast %swap3A_202 : vector<16xf32> to vector<16xf32>
    %swap3A_204 = vector.shape_cast %broadcast_in_dim3A_200 : vector<16xf32> to vector<16xf32>
    tpu.vector_store %arg7[%swap3A_201], %swap3A_204 {strides = array<i32>} : memref<640xf32, #tpu.memory_space<vmem>>, vector<16xf32>,
    %broadcast_in_dim3A_205 = arith.constant 0.000000e+00 : f32
    %broadcast_in_dim3A_206 = vector.broadcast %broadcast_in_dim3A_205 : f32 to vector<16xf32>
    %swap3A_207 = arith.constant 416 : index
    %swap3A_208 = tpu.vector_load %arg7[%swap3A_207] {strides = array<i32>} : memref<640xf32, #tpu.memory_space<vmem>>, vector<16xf32>,
    %swap3A_209 = vector.shape_cast %swap3A_208 : vector<16xf32> to vector<16xf32>
    %swap3A_210 = vector.shape_cast %broadcast_in_dim3A_206 : vector<16xf32> to vector<16xf32>
    tpu.vector_store %arg7[%swap3A_207], %swap3A_210 {strides = array<i32>} : memref<640xf32, #tpu.memory_space<vmem>>, vector<16xf32>,
    %broadcast_in_dim3A_211 = arith.constant 0.000000e+00 : f32
    %broadcast_in_dim3A_212 = vector.broadcast %broadcast_in_dim3A_211 : f32 to vector<16xf32>
    %swap3A_213 = arith.constant 432 : index
    %swap3A_214 = tpu.vector_load %arg7[%swap3A_213] {strides = array<i32>} : memref<640xf32, #tpu.memory_space<vmem>>, vector<16xf32>,
    %swap3A_215 = vector.shape_cast %swap3A_214 : vector<16xf32> to vector<16xf32>
    %swap3A_216 = vector.shape_cast %broadcast_in_dim3A_212 : vector<16xf32> to vector<16xf32>
    tpu.vector_store %arg7[%swap3A_213], %swap3A_216 {strides = array<i32>} : memref<640xf32, #tpu.memory_space<vmem>>, vector<16xf32>,
    %broadcast_in_dim3A_217 = arith.constant 0.000000e+00 : f32
    %broadcast_in_dim3A_218 = vector.broadcast %broadcast_in_dim3A_217 : f32 to vector<16xf32>
    %swap3A_219 = arith.constant 448 : index
    %swap3A_220 = tpu.vector_load %arg7[%swap3A_219] {strides = array<i32>} : memref<640xf32, #tpu.memory_space<vmem>>, vector<16xf32>,
    %swap3A_221 = vector.shape_cast %swap3A_220 : vector<16xf32> to vector<16xf32>
    %swap3A_222 = vector.shape_cast %broadcast_in_dim3A_218 : vector<16xf32> to vector<16xf32>
    tpu.vector_store %arg7[%swap3A_219], %swap3A_222 {strides = array<i32>} : memref<640xf32, #tpu.memory_space<vmem>>, vector<16xf32>,
    %broadcast_in_dim3A_223 = arith.constant 0.000000e+00 : f32
    %broadcast_in_dim3A_224 = vector.broadcast %broadcast_in_dim3A_223 : f32 to vector<16xf32>
    %swap3A_225 = arith.constant 464 : index
    %swap3A_226 = tpu.vector_load %arg7[%swap3A_225] {strides = array<i32>} : memref<640xf32, #tpu.memory_space<vmem>>, vector<16xf32>,
    %swap3A_227 = vector.shape_cast %swap3A_226 : vector<16xf32> to vector<16xf32>
    %swap3A_228 = vector.shape_cast %broadcast_in_dim3A_224 : vector<16xf32> to vector<16xf32>
    tpu.vector_store %arg7[%swap3A_225], %swap3A_228 {strides = array<i32>} : memref<640xf32, #tpu.memory_space<vmem>>, vector<16xf32>,
    %broadcast_in_dim3A_229 = arith.constant 0.000000e+00 : f32
    %broadcast_in_dim3A_230 = vector.broadcast %broadcast_in_dim3A_229 : f32 to vector<16xf32>
    %swap3A_231 = arith.constant 480 : index
    %swap3A_232 = tpu.vector_load %arg7[%swap3A_231] {strides = array<i32>} : memref<640xf32, #tpu.memory_space<vmem>>, vector<16xf32>,
    %swap3A_233 = vector.shape_cast %swap3A_232 : vector<16xf32> to vector<16xf32>
    %swap3A_234 = vector.shape_cast %broadcast_in_dim3A_230 : vector<16xf32> to vector<16xf32>
    tpu.vector_store %arg7[%swap3A_231], %swap3A_234 {strides = array<i32>} : memref<640xf32, #tpu.memory_space<vmem>>, vector<16xf32>,
    %broadcast_in_dim3A_235 = arith.constant 0.000000e+00 : f32
    %broadcast_in_dim3A_236 = vector.broadcast %broadcast_in_dim3A_235 : f32 to vector<16xf32>
    %swap3A_237 = arith.constant 496 : index
    %swap3A_238 = tpu.vector_load %arg7[%swap3A_237] {strides = array<i32>} : memref<640xf32, #tpu.memory_space<vmem>>, vector<16xf32>,
    %swap3A_239 = vector.shape_cast %swap3A_238 : vector<16xf32> to vector<16xf32>
    %swap3A_240 = vector.shape_cast %broadcast_in_dim3A_236 : vector<16xf32> to vector<16xf32>
    tpu.vector_store %arg7[%swap3A_237], %swap3A_240 {strides = array<i32>} : memref<640xf32, #tpu.memory_space<vmem>>, vector<16xf32>,
    %broadcast_in_dim3A_241 = arith.constant 0.000000e+00 : f32
    %broadcast_in_dim3A_242 = vector.broadcast %broadcast_in_dim3A_241 : f32 to vector<16xf32>
    %swap3A_243 = arith.constant 512 : index
    %swap3A_244 = tpu.vector_load %arg7[%swap3A_243] {strides = array<i32>} : memref<640xf32, #tpu.memory_space<vmem>>, vector<16xf32>,
    %swap3A_245 = vector.shape_cast %swap3A_244 : vector<16xf32> to vector<16xf32>
    %swap3A_246 = vector.shape_cast %broadcast_in_dim3A_242 : vector<16xf32> to vector<16xf32>
    tpu.vector_store %arg7[%swap3A_243], %swap3A_246 {strides = array<i32>} : memref<640xf32, #tpu.memory_space<vmem>>, vector<16xf32>,
    %broadcast_in_dim3A_247 = arith.constant 0.000000e+00 : f32
    %broadcast_in_dim3A_248 = vector.broadcast %broadcast_in_dim3A_247 : f32 to vector<16xf32>
    %swap3A_249 = arith.constant 528 : index
    %swap3A_250 = tpu.vector_load %arg7[%swap3A_249] {strides = array<i32>} : memref<640xf32, #tpu.memory_space<vmem>>, vector<16xf32>,
    %swap3A_251 = vector.shape_cast %swap3A_250 : vector<16xf32> to vector<16xf32>
    %swap3A_252 = vector.shape_cast %broadcast_in_dim3A_248 : vector<16xf32> to vector<16xf32>
    tpu.vector_store %arg7[%swap3A_249], %swap3A_252 {strides = array<i32>} : memref<640xf32, #tpu.memory_space<vmem>>, vector<16xf32>,
    %broadcast_in_dim3A_253 = arith.constant 0.000000e+00 : f32
    %broadcast_in_dim3A_254 = vector.broadcast %broadcast_in_dim3A_253 : f32 to vector<16xf32>
    %swap3A_255 = arith.constant 544 : index
    %swap3A_256 = tpu.vector_load %arg7[%swap3A_255] {strides = array<i32>} : memref<640xf32, #tpu.memory_space<vmem>>, vector<16xf32>,
    %swap3A_257 = vector.shape_cast %swap3A_256 : vector<16xf32> to vector<16xf32>
    %swap3A_258 = vector.shape_cast %broadcast_in_dim3A_254 : vector<16xf32> to vector<16xf32>
    tpu.vector_store %arg7[%swap3A_255], %swap3A_258 {strides = array<i32>} : memref<640xf32, #tpu.memory_space<vmem>>, vector<16xf32>,
    %broadcast_in_dim3A_259 = arith.constant 0.000000e+00 : f32
    %broadcast_in_dim3A_260 = vector.broadcast %broadcast_in_dim3A_259 : f32 to vector<16xf32>
    %swap3A_261 = arith.constant 560 : index
    %swap3A_262 = tpu.vector_load %arg7[%swap3A_261] {strides = array<i32>} : memref<640xf32, #tpu.memory_space<vmem>>, vector<16xf32>,
    %swap3A_263 = vector.shape_cast %swap3A_262 : vector<16xf32> to vector<16xf32>
    %swap3A_264 = vector.shape_cast %broadcast_in_dim3A_260 : vector<16xf32> to vector<16xf32>
    tpu.vector_store %arg7[%swap3A_261], %swap3A_264 {strides = array<i32>} : memref<640xf32, #tpu.memory_space<vmem>>, vector<16xf32>,
    %broadcast_in_dim3A_265 = arith.constant 0.000000e+00 : f32
    %broadcast_in_dim3A_266 = vector.broadcast %broadcast_in_dim3A_265 : f32 to vector<16xf32>
    %swap3A_267 = arith.constant 576 : index
    %swap3A_268 = tpu.vector_load %arg7[%swap3A_267] {strides = array<i32>} : memref<640xf32, #tpu.memory_space<vmem>>, vector<16xf32>,
    %swap3A_269 = vector.shape_cast %swap3A_268 : vector<16xf32> to vector<16xf32>
    %swap3A_270 = vector.shape_cast %broadcast_in_dim3A_266 : vector<16xf32> to vector<16xf32>
    tpu.vector_store %arg7[%swap3A_267], %swap3A_270 {strides = array<i32>} : memref<640xf32, #tpu.memory_space<vmem>>, vector<16xf32>,
    %broadcast_in_dim3A_271 = arith.constant 0.000000e+00 : f32
    %broadcast_in_dim3A_272 = vector.broadcast %broadcast_in_dim3A_271 : f32 to vector<16xf32>
    %swap3A_273 = arith.constant 592 : index
    %swap3A_274 = tpu.vector_load %arg7[%swap3A_273] {strides = array<i32>} : memref<640xf32, #tpu.memory_space<vmem>>, vector<16xf32>,
    %swap3A_275 = vector.shape_cast %swap3A_274 : vector<16xf32> to vector<16xf32>
    %swap3A_276 = vector.shape_cast %broadcast_in_dim3A_272 : vector<16xf32> to vector<16xf32>
    tpu.vector_store %arg7[%swap3A_273], %swap3A_276 {strides = array<i32>} : memref<640xf32, #tpu.memory_space<vmem>>, vector<16xf32>,
    %broadcast_in_dim3A_277 = arith.constant 0.000000e+00 : f32
    %broadcast_in_dim3A_278 = vector.broadcast %broadcast_in_dim3A_277 : f32 to vector<16xf32>
    %swap3A_279 = arith.constant 608 : index
    %swap3A_280 = tpu.vector_load %arg7[%swap3A_279] {strides = array<i32>} : memref<640xf32, #tpu.memory_space<vmem>>, vector<16xf32>,
    %swap3A_281 = vector.shape_cast %swap3A_280 : vector<16xf32> to vector<16xf32>
    %swap3A_282 = vector.shape_cast %broadcast_in_dim3A_278 : vector<16xf32> to vector<16xf32>
    tpu.vector_store %arg7[%swap3A_279], %swap3A_282 {strides = array<i32>} : memref<640xf32, #tpu.memory_space<vmem>>, vector<16xf32>,
    %broadcast_in_dim3A_283 = arith.constant 0.000000e+00 : f32
    %broadcast_in_dim3A_284 = vector.broadcast %broadcast_in_dim3A_283 : f32 to vector<16xf32>
    %swap3A_285 = arith.constant 624 : index
    %swap3A_286 = tpu.vector_load %arg7[%swap3A_285] {strides = array<i32>} : memref<640xf32, #tpu.memory_space<vmem>>, vector<16xf32>,
    %swap3A_287 = vector.shape_cast %swap3A_286 : vector<16xf32> to vector<16xf32>
    %swap3A_288 = vector.shape_cast %broadcast_in_dim3A_284 : vector<16xf32> to vector<16xf32>
    tpu.vector_store %arg7[%swap3A_285], %swap3A_288 {strides = array<i32>} : memref<640xf32, #tpu.memory_space<vmem>>, vector<16xf32>,
    %mul3A_289 = arith.constant 640 : i32
    %mul3A_290 = arith.muli %arg1, %mul3A_289 : i32
    "tpu.region"() ({
      %run_scoped3A = tpu.sem_alloc : memref<!tpu.dma_semaphore, #tpu.memory_space<semaphore_mem>>
      %dma_start3A = tpu.memref_slice %arg8[%mul3A_290] : memref<10240xf32, #tpu.memory_space<vmem_shared>> -> memref<640xf32, #tpu.memory_space<vmem_shared>>
      %dma_start3A_304 = tpu.memref_slice %arg8[%mul3A_290] : memref<10240xf32, #tpu.memory_space<vmem_shared>> -> memref<640xf32, #tpu.memory_space<vmem_shared>>
      tpu.enqueue_dma source(%arg7 : memref<640xf32, #tpu.memory_space<vmem>>) target(%dma_start3A_304 : memref<640xf32, #tpu.memory_space<vmem_shared>>) target_semaphore(%run_scoped3A : memref<!tpu.dma_semaphore, #tpu.memory_space<semaphore_mem>>)
      %dma_wait3A = tpu.memref_slice %arg8[%mul3A_290] : memref<10240xf32, #tpu.memory_space<vmem_shared>> -> memref<640xf32, #tpu.memory_space<vmem_shared>>
      %dma_wait3A_305 = tpu.memref_slice %arg8[%mul3A_290] : memref<10240xf32, #tpu.memory_space<vmem_shared>> -> memref<640xf32, #tpu.memory_space<vmem_shared>>
      tpu.wait_dma2 semaphore(%run_scoped3A : memref<!tpu.dma_semaphore, #tpu.memory_space<semaphore_mem>>) src(%arg7 : memref<640xf32, #tpu.memory_space<vmem>>) dst(%dma_wait3A_305 : memref<640xf32, #tpu.memory_space<vmem_shared>>)
      tpu.yield
    }) : () -> ()
    %barrier3A = arith.constant 0 : index
    tpu.barrier barrier_id(%barrier3A)
    %scan3A = arith.constant 0 : i32
    %scan3A_291 = arith.constant 0 : i32
    %scan3A_292 = arith.constant 80 : i32
    %scan3A_293 = arith.addi %scan3A_291, %scan3A_292 : i32
    %scan3A_294 = arith.constant 1 : i32
    scf.for %scan3A_304 = %scan3A_291 to %scan3A_293 step %scan3A_294  : i32 {
      "tpu.region"() ({
        %run_scoped3A = tpu.sem_alloc : memref<!tpu.dma_semaphore, #tpu.memory_space<semaphore_mem>>
        %dma_start3A = arith.constant 0 : i32
        %dma_start3A_305 = tpu.memref_slice %arg5[%scan3A_304, %dma_start3A] : memref<80x128xi32, #tpu.memory_space<vmem>> -> memref<1x128xi32, #tpu.memory_space<vmem>>
        %dma_start3A_306 = tpu.memref_squeeze %dma_start3A_305 : memref<1x128xi32, #tpu.memory_space<vmem>> -> memref<128xi32, #tpu.memory_space<vmem>>
        %dma_start3A_307 = arith.constant 0 : i32
        %dma_start3A_308 = tpu.memref_slice %arg8[%dma_start3A_307] : memref<10240xf32, #tpu.memory_space<vmem_shared>> -> memref<10240xf32, #tpu.memory_space<vmem_shared>>
        tpu.enqueue_indirect_dma source(%arg6 : memref<128xf32, #tpu.memory_space<vmem>>) target(%dma_start3A_308 : memref<10240xf32, #tpu.memory_space<vmem_shared>>) offsets(%dma_start3A_306 : memref<128xi32, #tpu.memory_space<vmem>>) semaphore(%run_scoped3A : memref<!tpu.dma_semaphore, #tpu.memory_space<semaphore_mem>>) {add = true}
        %dma_wait3A = arith.constant 0 : i32
        %dma_wait3A_309 = tpu.memref_slice %arg5[%scan3A_304, %dma_wait3A] : memref<80x128xi32, #tpu.memory_space<vmem>> -> memref<1x128xi32, #tpu.memory_space<vmem>>
        %dma_wait3A_310 = tpu.memref_squeeze %dma_wait3A_309 : memref<1x128xi32, #tpu.memory_space<vmem>> -> memref<128xi32, #tpu.memory_space<vmem>>
        %dma_wait3A_311 = arith.constant 0 : i32
        %dma_wait3A_312 = tpu.memref_slice %arg8[%dma_wait3A_311] : memref<10240xf32, #tpu.memory_space<vmem_shared>> -> memref<10240xf32, #tpu.memory_space<vmem_shared>>
        tpu.wait_indirect_dma semaphore(%run_scoped3A : memref<!tpu.dma_semaphore, #tpu.memory_space<semaphore_mem>>) src(%arg6 : memref<128xf32, #tpu.memory_space<vmem>>) dst(%dma_wait3A_312 : memref<10240xf32, #tpu.memory_space<vmem_shared>>)
        tpu.yield
      }) : () -> ()
    }
    %scan3A_295 = arith.constant 80 : i32
    %barrier3A_296 = arith.constant 0 : index
    tpu.barrier barrier_id(%barrier3A_296)
    %eq3A = arith.constant 0 : i32
    %eq3A_297 = arith.cmpi eq, %arg0, %eq3A : i32
    %convert_element_type3A = arith.extui %eq3A_297 : i1 to i32
    %cond3A = arith.constant 0 : i32
    %cond3A_298 = arith.cmpi ne, %convert_element_type3A, %cond3A : i32
    scf.if %cond3A_298 {
      %mul3A_304 = arith.constant 640 : i32
      %mul3A_305 = arith.muli %arg1, %mul3A_304 : i32
      %mul3A_306 = arith.constant 640 : i32
      %mul3A_307 = arith.muli %arg1, %mul3A_306 : i32
      "tpu.region"() ({
        %run_scoped3A = tpu.sem_alloc : memref<!tpu.dma_semaphore, #tpu.memory_space<semaphore_mem>>
        %dma_start3A = tpu.memref_slice %arg3[%mul3A_307] : memref<10240xf32, #tpu.memory_space<hbm>> -> memref<640xf32, #tpu.memory_space<hbm>>
        %dma_start3A_308 = tpu.memref_slice %arg8[%mul3A_305] : memref<10240xf32, #tpu.memory_space<vmem_shared>> -> memref<640xf32, #tpu.memory_space<vmem_shared>>
        tpu.enqueue_dma source(%dma_start3A_308 : memref<640xf32, #tpu.memory_space<vmem_shared>>) target(%dma_start3A : memref<640xf32, #tpu.memory_space<hbm>>) target_semaphore(%run_scoped3A : memref<!tpu.dma_semaphore, #tpu.memory_space<semaphore_mem>>)
        %dma_wait3A = tpu.memref_slice %arg3[%mul3A_307] : memref<10240xf32, #tpu.memory_space<hbm>> -> memref<640xf32, #tpu.memory_space<hbm>>
        %dma_wait3A_309 = tpu.memref_slice %arg8[%mul3A_305] : memref<10240xf32, #tpu.memory_space<vmem_shared>> -> memref<640xf32, #tpu.memory_space<vmem_shared>>
        tpu.wait_dma2 semaphore(%run_scoped3A : memref<!tpu.dma_semaphore, #tpu.memory_space<semaphore_mem>>) src(%dma_wait3A_309 : memref<640xf32, #tpu.memory_space<vmem_shared>>) dst(%dma_wait3A : memref<640xf32, #tpu.memory_space<hbm>>)
        tpu.yield
      }) : () -> ()
    } else {
    }
    %eq3A_299 = arith.constant 1 : i32
    %eq3A_300 = arith.cmpi eq, %arg0, %eq3A_299 : i32
    %convert_element_type3A_301 = arith.extui %eq3A_300 : i1 to i32
    %cond3A_302 = arith.constant 0 : i32
    %cond3A_303 = arith.cmpi ne, %convert_element_type3A_301, %cond3A_302 : i32
    scf.if %cond3A_303 {
      %mul3A_304 = arith.constant 640 : i32
      %mul3A_305 = arith.muli %arg1, %mul3A_304 : i32
      %mul3A_306 = arith.constant 640 : i32
      %mul3A_307 = arith.muli %arg1, %mul3A_306 : i32
      "tpu.region"() ({
        %run_scoped3A = tpu.sem_alloc : memref<!tpu.dma_semaphore, #tpu.memory_space<semaphore_mem>>
        %dma_start3A = tpu.memref_slice %arg4[%mul3A_307] : memref<10240xf32, #tpu.memory_space<hbm>> -> memref<640xf32, #tpu.memory_space<hbm>>
        %dma_start3A_308 = tpu.memref_slice %arg8[%mul3A_305] : memref<10240xf32, #tpu.memory_space<vmem_shared>> -> memref<640xf32, #tpu.memory_space<vmem_shared>>
        tpu.enqueue_dma source(%dma_start3A_308 : memref<640xf32, #tpu.memory_space<vmem_shared>>) target(%dma_start3A : memref<640xf32, #tpu.memory_space<hbm>>) target_semaphore(%run_scoped3A : memref<!tpu.dma_semaphore, #tpu.memory_space<semaphore_mem>>)
        %dma_wait3A = tpu.memref_slice %arg4[%mul3A_307] : memref<10240xf32, #tpu.memory_space<hbm>> -> memref<640xf32, #tpu.memory_space<hbm>>
        %dma_wait3A_309 = tpu.memref_slice %arg8[%mul3A_305] : memref<10240xf32, #tpu.memory_space<vmem_shared>> -> memref<640xf32, #tpu.memory_space<vmem_shared>>
        tpu.wait_dma2 semaphore(%run_scoped3A : memref<!tpu.dma_semaphore, #tpu.memory_space<semaphore_mem>>) src(%dma_wait3A_309 : memref<640xf32, #tpu.memory_space<vmem_shared>>) dst(%dma_wait3A : memref<640xf32, #tpu.memory_space<hbm>>)
        tpu.yield
      }) : () -> ()
    } else {
    }
    return
  }
}

#map = affine_map<(d0, d1) -> (0, 0)>
#map1 = affine_map<(d0, d1) -> (0, 0, 0)>
module attributes {stable_mosaic.version = 14 : i64} {
  func.func @_agg_body(%arg0: i32, %arg1: i32, %arg2: memref<20480x128xf32, #tpu.memory_space<hbm>>, %arg3: memref<2x2560x128xi32, #tpu.memory_space<hbm>>, %arg4: memref<2560x128xi32, #tpu.memory_space<hbm>>, %arg5: memref<2x10240x128xf32, #tpu.memory_space<hbm>>, %arg6: memref<40x128xi32, #tpu.memory_space<vmem>>, %arg7: memref<40x128xi32, #tpu.memory_space<vmem>>, %arg8: memref<128x128xf32, #tpu.memory_space<vmem>>, %arg9: memref<128x128xf32, #tpu.memory_space<vmem>>, %arg10: memref<10240x128xf32, #tpu.memory_space<vmem_shared>>, %arg11: memref<!tpu.dma_semaphore, #tpu.memory_space<semaphore_mem>>, %arg12: memref<!tpu.dma_semaphore, #tpu.memory_space<semaphore_mem>>) attributes {dimension_semantics = [#tpu.dimension_semantics<core_parallel>, #tpu.dimension_semantics<subcore_parallel>], iteration_bounds = array<i64: 2, 16>, scalar_prefetch = 0 : i64, scratch_operands = 7 : i64, tpu.core_type = #tpu.core_type<sc_vector_subcore>, window_params = [{transform_indices = #map}, {transform_indices = #map1}, {transform_indices = #map}, {transform_indices = #map1}]} {
    %mul3A = arith.constant 10240 : i32
    %mul3A_0 = arith.muli %arg0, %mul3A : i32
    %mul3A_1 = arith.constant 640 : i32
    %mul3A_2 = arith.muli %arg1, %mul3A_1 : i32
    %add3A = arith.addi %mul3A_0, %mul3A_2 : i32
    %mul3A_3 = arith.constant 640 : i32
    %mul3A_4 = arith.muli %arg1, %mul3A_3 : i32
    "tpu.region"() ({
      %run_scoped3A = tpu.sem_alloc : memref<!tpu.dma_semaphore, #tpu.memory_space<semaphore_mem>>
      %dma_start3A = arith.constant 0 : i32
      %dma_start3A_15 = tpu.memref_slice %arg10[%mul3A_4, %dma_start3A] : memref<10240x128xf32, #tpu.memory_space<vmem_shared>> -> memref<640x128xf32, #tpu.memory_space<vmem_shared>>
      %dma_start3A_16 = arith.constant 0 : i32
      %dma_start3A_17 = tpu.memref_slice %arg2[%add3A, %dma_start3A_16] : memref<20480x128xf32, #tpu.memory_space<hbm>> -> memref<640x128xf32, #tpu.memory_space<hbm>>
      tpu.enqueue_dma source(%dma_start3A_17 : memref<640x128xf32, #tpu.memory_space<hbm>>) target(%dma_start3A_15 : memref<640x128xf32, #tpu.memory_space<vmem_shared>>) target_semaphore(%run_scoped3A : memref<!tpu.dma_semaphore, #tpu.memory_space<semaphore_mem>>)
      %dma_wait3A = arith.constant 0 : i32
      %dma_wait3A_18 = tpu.memref_slice %arg10[%mul3A_4, %dma_wait3A] : memref<10240x128xf32, #tpu.memory_space<vmem_shared>> -> memref<640x128xf32, #tpu.memory_space<vmem_shared>>
      %dma_wait3A_19 = arith.constant 0 : i32
      %dma_wait3A_20 = tpu.memref_slice %arg2[%add3A, %dma_wait3A_19] : memref<20480x128xf32, #tpu.memory_space<hbm>> -> memref<640x128xf32, #tpu.memory_space<hbm>>
      tpu.wait_dma2 semaphore(%run_scoped3A : memref<!tpu.dma_semaphore, #tpu.memory_space<semaphore_mem>>) src(%dma_wait3A_20 : memref<640x128xf32, #tpu.memory_space<hbm>>) dst(%dma_wait3A_18 : memref<640x128xf32, #tpu.memory_space<vmem_shared>>)
      tpu.yield
    }) : () -> ()
    %barrier3A = arith.constant 0 : index
    tpu.barrier barrier_id(%barrier3A)
    %scan3A = arith.constant 0 : i32
    %scan3A_5 = arith.constant 0 : i32
    %scan3A_6 = arith.constant 4 : i32
    %scan3A_7 = arith.addi %scan3A_5, %scan3A_6 : i32
    %scan3A_8 = arith.constant 1 : i32
    scf.for %scan3A_15 = %scan3A_5 to %scan3A_7 step %scan3A_8  : i32 {
      %mul3A_16 = arith.constant 160 : i32
      %mul3A_17 = arith.muli %arg1, %mul3A_16 : i32
      %mul3A_18 = arith.constant 40 : i32
      %mul3A_19 = arith.muli %scan3A_15, %mul3A_18 : i32
      %add3A_20 = arith.addi %mul3A_17, %mul3A_19 : i32
      "tpu.region"() ({
        %run_scoped3A = tpu.sem_alloc : memref<!tpu.dma_semaphore, #tpu.memory_space<semaphore_mem>>
        %dma_start3A_33 = arith.constant 0 : i32
        %dma_start3A_34 = tpu.memref_slice %arg3[%arg0, %add3A_20, %dma_start3A_33] : memref<2x2560x128xi32, #tpu.memory_space<hbm>> -> memref<1x40x128xi32, #tpu.memory_space<hbm>>
        %dma_start3A_35 = tpu.memref_squeeze %dma_start3A_34 : memref<1x40x128xi32, #tpu.memory_space<hbm>> -> memref<40x128xi32, #tpu.memory_space<hbm>>
        %dma_start3A_36 = arith.constant 0 : i32
        %dma_start3A_37 = tpu.memref_slice %arg3[%arg0, %add3A_20, %dma_start3A_36] : memref<2x2560x128xi32, #tpu.memory_space<hbm>> -> memref<1x40x128xi32, #tpu.memory_space<hbm>>
        %dma_start3A_38 = tpu.memref_squeeze %dma_start3A_37 : memref<1x40x128xi32, #tpu.memory_space<hbm>> -> memref<40x128xi32, #tpu.memory_space<hbm>>
        tpu.enqueue_dma source(%dma_start3A_38 : memref<40x128xi32, #tpu.memory_space<hbm>>) target(%arg6 : memref<40x128xi32, #tpu.memory_space<vmem>>) target_semaphore(%run_scoped3A : memref<!tpu.dma_semaphore, #tpu.memory_space<semaphore_mem>>)
        %dma_wait3A = arith.constant 0 : i32
        %dma_wait3A_39 = tpu.memref_slice %arg3[%arg0, %add3A_20, %dma_wait3A] : memref<2x2560x128xi32, #tpu.memory_space<hbm>> -> memref<1x40x128xi32, #tpu.memory_space<hbm>>
        %dma_wait3A_40 = tpu.memref_squeeze %dma_wait3A_39 : memref<1x40x128xi32, #tpu.memory_space<hbm>> -> memref<40x128xi32, #tpu.memory_space<hbm>>
        %dma_wait3A_41 = arith.constant 0 : i32
        %dma_wait3A_42 = tpu.memref_slice %arg3[%arg0, %add3A_20, %dma_wait3A_41] : memref<2x2560x128xi32, #tpu.memory_space<hbm>> -> memref<1x40x128xi32, #tpu.memory_space<hbm>>
        %dma_wait3A_43 = tpu.memref_squeeze %dma_wait3A_42 : memref<1x40x128xi32, #tpu.memory_space<hbm>> -> memref<40x128xi32, #tpu.memory_space<hbm>>
        tpu.wait_dma2 semaphore(%run_scoped3A : memref<!tpu.dma_semaphore, #tpu.memory_space<semaphore_mem>>) src(%dma_wait3A_43 : memref<40x128xi32, #tpu.memory_space<hbm>>) dst(%arg6 : memref<40x128xi32, #tpu.memory_space<vmem>>)
        tpu.yield
      }) : () -> ()
      "tpu.region"() ({
        %run_scoped3A = tpu.sem_alloc : memref<!tpu.dma_semaphore, #tpu.memory_space<semaphore_mem>>
        %dma_start3A_33 = arith.constant 0 : i32
        %dma_start3A_34 = tpu.memref_slice %arg4[%add3A_20, %dma_start3A_33] : memref<2560x128xi32, #tpu.memory_space<hbm>> -> memref<40x128xi32, #tpu.memory_space<hbm>>
        %dma_start3A_35 = arith.constant 0 : i32
        %dma_start3A_36 = tpu.memref_slice %arg4[%add3A_20, %dma_start3A_35] : memref<2560x128xi32, #tpu.memory_space<hbm>> -> memref<40x128xi32, #tpu.memory_space<hbm>>
        tpu.enqueue_dma source(%dma_start3A_36 : memref<40x128xi32, #tpu.memory_space<hbm>>) target(%arg7 : memref<40x128xi32, #tpu.memory_space<vmem>>) target_semaphore(%run_scoped3A : memref<!tpu.dma_semaphore, #tpu.memory_space<semaphore_mem>>)
        %dma_wait3A = arith.constant 0 : i32
        %dma_wait3A_37 = tpu.memref_slice %arg4[%add3A_20, %dma_wait3A] : memref<2560x128xi32, #tpu.memory_space<hbm>> -> memref<40x128xi32, #tpu.memory_space<hbm>>
        %dma_wait3A_38 = arith.constant 0 : i32
        %dma_wait3A_39 = tpu.memref_slice %arg4[%add3A_20, %dma_wait3A_38] : memref<2560x128xi32, #tpu.memory_space<hbm>> -> memref<40x128xi32, #tpu.memory_space<hbm>>
        tpu.wait_dma2 semaphore(%run_scoped3A : memref<!tpu.dma_semaphore, #tpu.memory_space<semaphore_mem>>) src(%dma_wait3A_39 : memref<40x128xi32, #tpu.memory_space<hbm>>) dst(%arg7 : memref<40x128xi32, #tpu.memory_space<vmem>>)
        tpu.yield
      }) : () -> ()
      %dma_start3A = arith.constant 0 : i32
      %dma_start3A_21 = arith.constant 0 : i32
      %dma_start3A_22 = tpu.memref_slice %arg6[%dma_start3A, %dma_start3A_21] : memref<40x128xi32, #tpu.memory_space<vmem>> -> memref<1x128xi32, #tpu.memory_space<vmem>>
      %dma_start3A_23 = tpu.memref_squeeze %dma_start3A_22 : memref<1x128xi32, #tpu.memory_space<vmem>> -> memref<128xi32, #tpu.memory_space<vmem>>
      %dma_start3A_24 = arith.constant 0 : i32
      %dma_start3A_25 = arith.constant 0 : i32
      %dma_start3A_26 = tpu.memref_slice %arg2[%dma_start3A_24, %dma_start3A_25] : memref<20480x128xf32, #tpu.memory_space<hbm>> -> memref<20480x128xf32, #tpu.memory_space<hbm>>
      tpu.enqueue_indirect_dma source(%dma_start3A_26 : memref<20480x128xf32, #tpu.memory_space<hbm>>) target(%arg8 : memref<128x128xf32, #tpu.memory_space<vmem>>) offsets(%dma_start3A_23 : memref<128xi32, #tpu.memory_space<vmem>>) semaphore(%arg11 : memref<!tpu.dma_semaphore, #tpu.memory_space<semaphore_mem>>)
      %scan3A_27 = arith.constant 0 : i32
      %scan3A_28 = arith.constant 0 : i32
      %scan3A_29 = arith.constant 20 : i32
      %scan3A_30 = arith.addi %scan3A_28, %scan3A_29 : i32
      %scan3A_31 = arith.constant 1 : i32
      scf.for %scan3A_33 = %scan3A_28 to %scan3A_30 step %scan3A_31  : i32 {
        %mul3A_34 = arith.constant 2 : i32
        %mul3A_35 = arith.muli %mul3A_34, %scan3A_33 : i32
        %dma_wait3A = arith.constant 0 : i32
        %dma_wait3A_36 = arith.constant 0 : i32
        %dma_wait3A_37 = tpu.memref_slice %arg6[%dma_wait3A, %dma_wait3A_36] : memref<40x128xi32, #tpu.memory_space<vmem>> -> memref<1x128xi32, #tpu.memory_space<vmem>>
        %dma_wait3A_38 = tpu.memref_squeeze %dma_wait3A_37 : memref<1x128xi32, #tpu.memory_space<vmem>> -> memref<128xi32, #tpu.memory_space<vmem>>
        %dma_wait3A_39 = arith.constant 0 : i32
        %dma_wait3A_40 = arith.constant 0 : i32
        %dma_wait3A_41 = tpu.memref_slice %arg2[%dma_wait3A_39, %dma_wait3A_40] : memref<20480x128xf32, #tpu.memory_space<hbm>> -> memref<20480x128xf32, #tpu.memory_space<hbm>>
        tpu.wait_indirect_dma semaphore(%arg11 : memref<!tpu.dma_semaphore, #tpu.memory_space<semaphore_mem>>) src(%dma_wait3A_41 : memref<20480x128xf32, #tpu.memory_space<hbm>>) dst(%arg8 : memref<128x128xf32, #tpu.memory_space<vmem>>)
        %add3A_42 = arith.constant 1 : i32
        %add3A_43 = arith.addi %mul3A_35, %add3A_42 : i32
        %dma_start3A_44 = arith.constant 0 : i32
        %dma_start3A_45 = tpu.memref_slice %arg6[%add3A_43, %dma_start3A_44] : memref<40x128xi32, #tpu.memory_space<vmem>> -> memref<1x128xi32, #tpu.memory_space<vmem>>
        %dma_start3A_46 = tpu.memref_squeeze %dma_start3A_45 : memref<1x128xi32, #tpu.memory_space<vmem>> -> memref<128xi32, #tpu.memory_space<vmem>>
        %dma_start3A_47 = arith.constant 0 : i32
        %dma_start3A_48 = arith.constant 0 : i32
        %dma_start3A_49 = tpu.memref_slice %arg2[%dma_start3A_47, %dma_start3A_48] : memref<20480x128xf32, #tpu.memory_space<hbm>> -> memref<20480x128xf32, #tpu.memory_space<hbm>>
        tpu.enqueue_indirect_dma source(%dma_start3A_49 : memref<20480x128xf32, #tpu.memory_space<hbm>>) target(%arg9 : memref<128x128xf32, #tpu.memory_space<vmem>>) offsets(%dma_start3A_46 : memref<128xi32, #tpu.memory_space<vmem>>) semaphore(%arg12 : memref<!tpu.dma_semaphore, #tpu.memory_space<semaphore_mem>>)
        "tpu.region"() ({
          %run_scoped3A = tpu.sem_alloc : memref<!tpu.dma_semaphore, #tpu.memory_space<semaphore_mem>>
          %dma_start3A_63 = arith.constant 0 : i32
          %dma_start3A_64 = tpu.memref_slice %arg7[%mul3A_35, %dma_start3A_63] : memref<40x128xi32, #tpu.memory_space<vmem>> -> memref<1x128xi32, #tpu.memory_space<vmem>>
          %dma_start3A_65 = tpu.memref_squeeze %dma_start3A_64 : memref<1x128xi32, #tpu.memory_space<vmem>> -> memref<128xi32, #tpu.memory_space<vmem>>
          %dma_start3A_66 = arith.constant 0 : i32
          %dma_start3A_67 = arith.constant 0 : i32
          %dma_start3A_68 = tpu.memref_slice %arg10[%dma_start3A_66, %dma_start3A_67] : memref<10240x128xf32, #tpu.memory_space<vmem_shared>> -> memref<10240x128xf32, #tpu.memory_space<vmem_shared>>
          tpu.enqueue_indirect_dma source(%arg8 : memref<128x128xf32, #tpu.memory_space<vmem>>) target(%dma_start3A_68 : memref<10240x128xf32, #tpu.memory_space<vmem_shared>>) offsets(%dma_start3A_65 : memref<128xi32, #tpu.memory_space<vmem>>) semaphore(%run_scoped3A : memref<!tpu.dma_semaphore, #tpu.memory_space<semaphore_mem>>) {add = true}
          %dma_wait3A_69 = arith.constant 0 : i32
          %dma_wait3A_70 = tpu.memref_slice %arg7[%mul3A_35, %dma_wait3A_69] : memref<40x128xi32, #tpu.memory_space<vmem>> -> memref<1x128xi32, #tpu.memory_space<vmem>>
          %dma_wait3A_71 = tpu.memref_squeeze %dma_wait3A_70 : memref<1x128xi32, #tpu.memory_space<vmem>> -> memref<128xi32, #tpu.memory_space<vmem>>
          %dma_wait3A_72 = arith.constant 0 : i32
          %dma_wait3A_73 = arith.constant 0 : i32
          %dma_wait3A_74 = tpu.memref_slice %arg10[%dma_wait3A_72, %dma_wait3A_73] : memref<10240x128xf32, #tpu.memory_space<vmem_shared>> -> memref<10240x128xf32, #tpu.memory_space<vmem_shared>>
          tpu.wait_indirect_dma semaphore(%run_scoped3A : memref<!tpu.dma_semaphore, #tpu.memory_space<semaphore_mem>>) src(%arg8 : memref<128x128xf32, #tpu.memory_space<vmem>>) dst(%dma_wait3A_74 : memref<10240x128xf32, #tpu.memory_space<vmem_shared>>)
          tpu.yield
        }) : () -> ()
        %dma_wait3A_50 = arith.constant 0 : i32
        %dma_wait3A_51 = arith.constant 0 : i32
        %dma_wait3A_52 = tpu.memref_slice %arg6[%dma_wait3A_50, %dma_wait3A_51] : memref<40x128xi32, #tpu.memory_space<vmem>> -> memref<1x128xi32, #tpu.memory_space<vmem>>
        %dma_wait3A_53 = tpu.memref_squeeze %dma_wait3A_52 : memref<1x128xi32, #tpu.memory_space<vmem>> -> memref<128xi32, #tpu.memory_space<vmem>>
        %dma_wait3A_54 = arith.constant 0 : i32
        %dma_wait3A_55 = arith.constant 0 : i32
        %dma_wait3A_56 = tpu.memref_slice %arg2[%dma_wait3A_54, %dma_wait3A_55] : memref<20480x128xf32, #tpu.memory_space<hbm>> -> memref<20480x128xf32, #tpu.memory_space<hbm>>
        tpu.wait_indirect_dma semaphore(%arg12 : memref<!tpu.dma_semaphore, #tpu.memory_space<semaphore_mem>>) src(%dma_wait3A_56 : memref<20480x128xf32, #tpu.memory_space<hbm>>) dst(%arg9 : memref<128x128xf32, #tpu.memory_space<vmem>>)
        %add3A_57 = arith.constant 2 : i32
        %add3A_58 = arith.addi %mul3A_35, %add3A_57 : i32
        %lt3A = arith.constant 40 : i32
        %lt3A_59 = arith.cmpi slt, %add3A_58, %lt3A : i32
        %convert_element_type3A = arith.extui %lt3A_59 : i1 to i32
        %cond3A = arith.constant 0 : i32
        %cond3A_60 = arith.cmpi ne, %convert_element_type3A, %cond3A : i32
        scf.if %cond3A_60 {
          %add3A_63 = arith.constant 2 : i32
          %add3A_64 = arith.addi %mul3A_35, %add3A_63 : i32
          %dma_start3A_65 = arith.constant 0 : i32
          %dma_start3A_66 = tpu.memref_slice %arg6[%add3A_64, %dma_start3A_65] : memref<40x128xi32, #tpu.memory_space<vmem>> -> memref<1x128xi32, #tpu.memory_space<vmem>>
          %dma_start3A_67 = tpu.memref_squeeze %dma_start3A_66 : memref<1x128xi32, #tpu.memory_space<vmem>> -> memref<128xi32, #tpu.memory_space<vmem>>
          %dma_start3A_68 = arith.constant 0 : i32
          %dma_start3A_69 = arith.constant 0 : i32
          %dma_start3A_70 = tpu.memref_slice %arg2[%dma_start3A_68, %dma_start3A_69] : memref<20480x128xf32, #tpu.memory_space<hbm>> -> memref<20480x128xf32, #tpu.memory_space<hbm>>
          tpu.enqueue_indirect_dma source(%dma_start3A_70 : memref<20480x128xf32, #tpu.memory_space<hbm>>) target(%arg8 : memref<128x128xf32, #tpu.memory_space<vmem>>) offsets(%dma_start3A_67 : memref<128xi32, #tpu.memory_space<vmem>>) semaphore(%arg11 : memref<!tpu.dma_semaphore, #tpu.memory_space<semaphore_mem>>)
        } else {
        }
        %add3A_61 = arith.constant 1 : i32
        %add3A_62 = arith.addi %mul3A_35, %add3A_61 : i32
        "tpu.region"() ({
          %run_scoped3A = tpu.sem_alloc : memref<!tpu.dma_semaphore, #tpu.memory_space<semaphore_mem>>
          %dma_start3A_63 = arith.constant 0 : i32
          %dma_start3A_64 = tpu.memref_slice %arg7[%add3A_62, %dma_start3A_63] : memref<40x128xi32, #tpu.memory_space<vmem>> -> memref<1x128xi32, #tpu.memory_space<vmem>>
          %dma_start3A_65 = tpu.memref_squeeze %dma_start3A_64 : memref<1x128xi32, #tpu.memory_space<vmem>> -> memref<128xi32, #tpu.memory_space<vmem>>
          %dma_start3A_66 = arith.constant 0 : i32
          %dma_start3A_67 = arith.constant 0 : i32
          %dma_start3A_68 = tpu.memref_slice %arg10[%dma_start3A_66, %dma_start3A_67] : memref<10240x128xf32, #tpu.memory_space<vmem_shared>> -> memref<10240x128xf32, #tpu.memory_space<vmem_shared>>
          tpu.enqueue_indirect_dma source(%arg9 : memref<128x128xf32, #tpu.memory_space<vmem>>) target(%dma_start3A_68 : memref<10240x128xf32, #tpu.memory_space<vmem_shared>>) offsets(%dma_start3A_65 : memref<128xi32, #tpu.memory_space<vmem>>) semaphore(%run_scoped3A : memref<!tpu.dma_semaphore, #tpu.memory_space<semaphore_mem>>) {add = true}
          %dma_wait3A_69 = arith.constant 0 : i32
          %dma_wait3A_70 = tpu.memref_slice %arg7[%add3A_62, %dma_wait3A_69] : memref<40x128xi32, #tpu.memory_space<vmem>> -> memref<1x128xi32, #tpu.memory_space<vmem>>
          %dma_wait3A_71 = tpu.memref_squeeze %dma_wait3A_70 : memref<1x128xi32, #tpu.memory_space<vmem>> -> memref<128xi32, #tpu.memory_space<vmem>>
          %dma_wait3A_72 = arith.constant 0 : i32
          %dma_wait3A_73 = arith.constant 0 : i32
          %dma_wait3A_74 = tpu.memref_slice %arg10[%dma_wait3A_72, %dma_wait3A_73] : memref<10240x128xf32, #tpu.memory_space<vmem_shared>> -> memref<10240x128xf32, #tpu.memory_space<vmem_shared>>
          tpu.wait_indirect_dma semaphore(%run_scoped3A : memref<!tpu.dma_semaphore, #tpu.memory_space<semaphore_mem>>) src(%arg9 : memref<128x128xf32, #tpu.memory_space<vmem>>) dst(%dma_wait3A_74 : memref<10240x128xf32, #tpu.memory_space<vmem_shared>>)
          tpu.yield
        }) : () -> ()
      }
      %scan3A_32 = arith.constant 20 : i32
    }
    %scan3A_9 = arith.constant 4 : i32
    %barrier3A_10 = arith.constant 0 : index
    tpu.barrier barrier_id(%barrier3A_10)
    %mul3A_11 = arith.constant 640 : i32
    %mul3A_12 = arith.muli %arg1, %mul3A_11 : i32
    %mul3A_13 = arith.constant 640 : i32
    %mul3A_14 = arith.muli %arg1, %mul3A_13 : i32
    "tpu.region"() ({
      %run_scoped3A = tpu.sem_alloc : memref<!tpu.dma_semaphore, #tpu.memory_space<semaphore_mem>>
      %dma_start3A = arith.constant 0 : i32
      %dma_start3A_15 = tpu.memref_slice %arg5[%arg0, %mul3A_14, %dma_start3A] : memref<2x10240x128xf32, #tpu.memory_space<hbm>> -> memref<1x640x128xf32, #tpu.memory_space<hbm>>
      %dma_start3A_16 = tpu.memref_squeeze %dma_start3A_15 : memref<1x640x128xf32, #tpu.memory_space<hbm>> -> memref<640x128xf32, #tpu.memory_space<hbm>>
      %dma_start3A_17 = arith.constant 0 : i32
      %dma_start3A_18 = tpu.memref_slice %arg10[%mul3A_12, %dma_start3A_17] : memref<10240x128xf32, #tpu.memory_space<vmem_shared>> -> memref<640x128xf32, #tpu.memory_space<vmem_shared>>
      tpu.enqueue_dma source(%dma_start3A_18 : memref<640x128xf32, #tpu.memory_space<vmem_shared>>) target(%dma_start3A_16 : memref<640x128xf32, #tpu.memory_space<hbm>>) target_semaphore(%run_scoped3A : memref<!tpu.dma_semaphore, #tpu.memory_space<semaphore_mem>>)
      %dma_wait3A = arith.constant 0 : i32
      %dma_wait3A_19 = tpu.memref_slice %arg5[%arg0, %mul3A_14, %dma_wait3A] : memref<2x10240x128xf32, #tpu.memory_space<hbm>> -> memref<1x640x128xf32, #tpu.memory_space<hbm>>
      %dma_wait3A_20 = tpu.memref_squeeze %dma_wait3A_19 : memref<1x640x128xf32, #tpu.memory_space<hbm>> -> memref<640x128xf32, #tpu.memory_space<hbm>>
      %dma_wait3A_21 = arith.constant 0 : i32
      %dma_wait3A_22 = tpu.memref_slice %arg10[%mul3A_12, %dma_wait3A_21] : memref<10240x128xf32, #tpu.memory_space<vmem_shared>> -> memref<640x128xf32, #tpu.memory_space<vmem_shared>>
      tpu.wait_dma2 semaphore(%run_scoped3A : memref<!tpu.dma_semaphore, #tpu.memory_space<semaphore_mem>>) src(%dma_wait3A_22 : memref<640x128xf32, #tpu.memory_space<vmem_shared>>) dst(%dma_wait3A_20 : memref<640x128xf32, #tpu.memory_space<hbm>>)
      tpu.yield
    }) : () -> ()
    return
  }
}

module attributes {stable_mosaic.version = 14 : i64} {
  func.func @_tca_body(%arg0: i32, %arg1: i32, %arg2: memref<1000x128xf32, #tpu.memory_space<vmem>>, %arg3: memref<128x128xf32, #tpu.memory_space<vmem>>, %arg4: memref<2x1000x1xf32, #tpu.memory_space<vmem>>, %arg5: memref<1x1000x128xf32, #tpu.memory_space<vmem>>) attributes {dimension_semantics = [#tpu.dimension_semantics<arbitrary>, #tpu.dimension_semantics<arbitrary>], iteration_bounds = array<i64: 2, 10>, scalar_prefetch = 0 : i64, scratch_operands = 0 : i64, tpu.core_type = #tpu.core_type<tc>, window_params = [{transform_indices = @transform_0, window_bounds = array<i64: 1000, 128>}, {transform_indices = @transform_1, window_bounds = array<i64: 128, 128>}, {transform_indices = @transform_2, window_bounds = array<i64: 2, 1000, 1>}, {transform_indices = @transform_3, window_bounds = array<i64: 1, 1000, 128>}]} {
    %get3A = arith.constant 0 : index
    %get3A_0 = arith.constant 0 : index
    %get3A_1 = arith.constant 0 : index
    %get3A_2 = vector.load %arg4[%get3A, %get3A_0, %get3A_1] : memref<2x1000x1xf32, #tpu.memory_space<vmem>>, vector<1x1000x1xf32>
    %get3A_3 = vector.shape_cast %get3A_2 : vector<1x1000x1xf32> to vector<1000x1xf32>
    %get3A_4 = arith.constant 1 : index
    %get3A_5 = arith.constant 0 : index
    %get3A_6 = arith.constant 0 : index
    %get3A_7 = vector.load %arg4[%get3A_4, %get3A_5, %get3A_6] : memref<2x1000x1xf32, #tpu.memory_space<vmem>>, vector<1x1000x1xf32>
    %get3A_8 = vector.shape_cast %get3A_7 : vector<1x1000x1xf32> to vector<1000x1xf32>
    %add3A = arith.addf %get3A_3, %get3A_8 : vector<1000x1xf32>
    %add3A_9 = arith.constant 1.000000e+00 : f32
    %add3A_10 = vector.broadcast %add3A_9 : f32 to vector<1000x1xf32>
    %add3A_11 = arith.addf %add3A, %add3A_10 : vector<1000x1xf32>
    %rsqrt3A = math.rsqrt %add3A_11 : vector<1000x1xf32>
    %get3A_12 = arith.constant 0 : index
    %get3A_13 = arith.constant 0 : index
    %get3A_14 = vector.load %arg2[%get3A_12, %get3A_13] : memref<1000x128xf32, #tpu.memory_space<vmem>>, vector<1000x128xf32>
    %get3A_15 = arith.constant 0 : index
    %get3A_16 = arith.constant 0 : index
    %get3A_17 = vector.load %arg3[%get3A_15, %get3A_16] : memref<128x128xf32, #tpu.memory_space<vmem>>, vector<128x128xf32>
    %dot_general3A = arith.constant dense<0.000000e+00> : vector<1000x128xf32>
    %dot_general3A_18 = tpu.matmul %get3A_14, %get3A_17, %dot_general3A {dimension_numbers = #tpu.dot_dimension_numbers<[1], [0], [0], [1], [0, 0, 1, 1], [], []>, transpose_lhs_hint = false} : vector<1000x128xf32>, vector<128x128xf32>, vector<1000x128xf32> -> vector<1000x128xf32>
    %mul3A = vector.broadcast %rsqrt3A : vector<1000x1xf32> to vector<1000x128xf32>
    %mul3A_19 = arith.mulf %dot_general3A_18, %mul3A : vector<1000x128xf32>
    %broadcast_in_dim3A = vector.shape_cast %mul3A_19 : vector<1000x128xf32> to vector<1x1000x128xf32>
    %swap3A = arith.constant 0 : index
    %swap3A_20 = arith.constant 0 : index
    %swap3A_21 = arith.constant 0 : index
    %swap3A_22 = vector.load %arg5[%swap3A, %swap3A_20, %swap3A_21] : memref<1x1000x128xf32, #tpu.memory_space<vmem>>, vector<1x1000x128xf32>
    tpu.vector_store %arg5[%swap3A, %swap3A_20, %swap3A_21], %broadcast_in_dim3A {strides = array<i32>} : memref<1x1000x128xf32, #tpu.memory_space<vmem>>, vector<1x1000x128xf32>,
    return
  }
  func.func @transform_0(%arg0: i32, %arg1: i32) -> (i32, i32) {
    %c0_i32 = arith.constant 0 : i32
    %c0_i32_0 = arith.constant 0 : i32
    return %arg1, %c0_i32 : i32, i32
  }
  func.func @transform_1(%arg0: i32, %arg1: i32) -> (i32, i32) {
    %c0_i32 = arith.constant 0 : i32
    %c0_i32_0 = arith.constant 0 : i32
    return %c0_i32, %arg0 : i32, i32
  }
  func.func @transform_2(%arg0: i32, %arg1: i32) -> (i32, i32, i32) {
    %c0_i32 = arith.constant 0 : i32
    %c0_i32_0 = arith.constant 0 : i32
    %c0_i32_1 = arith.constant 0 : i32
    return %c0_i32, %arg1, %c0_i32_0 : i32, i32, i32
  }
  func.func @transform_3(%arg0: i32, %arg1: i32) -> (i32, i32, i32) {
    %c0_i32 = arith.constant 0 : i32
    %c0_i32_0 = arith.constant 0 : i32
    return %arg0, %arg1, %c0_i32 : i32, i32, i32
  }
}

module attributes {stable_mosaic.version = 14 : i64} {
  func.func @_tcb_body(%arg0: i32, %arg1: memref<2x1000x128xf32, #tpu.memory_space<vmem>>, %arg2: memref<2x1000x1xf32, #tpu.memory_space<vmem>>, %arg3: memref<1x256xf32, #tpu.memory_space<vmem>>, %arg4: memref<256x64xf32, #tpu.memory_space<vmem>>, %arg5: memref<1x64xf32, #tpu.memory_space<vmem>>, %arg6: memref<64x256xf32, #tpu.memory_space<vmem>>, %arg7: memref<1x256xf32, #tpu.memory_space<vmem>>, %arg8: memref<256x128xf32, #tpu.memory_space<vmem>>, %arg9: memref<1x128xf32, #tpu.memory_space<vmem>>, %arg10: memref<1000x128xf32, #tpu.memory_space<vmem>>, %arg11: memref<1000x64xf32, #tpu.memory_space<vmem>>) attributes {dimension_semantics = [#tpu.dimension_semantics<arbitrary>], iteration_bounds = array<i64: 10>, scalar_prefetch = 0 : i64, scratch_operands = 0 : i64, tpu.core_type = #tpu.core_type<tc>, window_params = [{transform_indices = @transform_0, window_bounds = array<i64: 2, 1000, 128>}, {transform_indices = @transform_1, window_bounds = array<i64: 2, 1000, 1>}, {pipeline_mode = #tpu.pipeline_mode<synchronous>, transform_indices = @transform_2, window_bounds = array<i64: 1, 256>}, {pipeline_mode = #tpu.pipeline_mode<synchronous>, transform_indices = @transform_3, window_bounds = array<i64: 256, 64>}, {pipeline_mode = #tpu.pipeline_mode<synchronous>, transform_indices = @transform_4, window_bounds = array<i64: 1, 64>}, {pipeline_mode = #tpu.pipeline_mode<synchronous>, transform_indices = @transform_5, window_bounds = array<i64: 64, 256>}, {pipeline_mode = #tpu.pipeline_mode<synchronous>, transform_indices = @transform_6, window_bounds = array<i64: 1, 256>}, {pipeline_mode = #tpu.pipeline_mode<synchronous>, transform_indices = @transform_7, window_bounds = array<i64: 256, 128>}, {pipeline_mode = #tpu.pipeline_mode<synchronous>, transform_indices = @transform_8, window_bounds = array<i64: 1, 128>}, {transform_indices = @transform_9, window_bounds = array<i64: 1000, 128>}, {transform_indices = @transform_10, window_bounds = array<i64: 1000, 64>}]} {
    %get3A = arith.constant 0 : index
    %get3A_0 = arith.constant 0 : index
    %get3A_1 = arith.constant 0 : index
    %get3A_2 = vector.load %arg2[%get3A, %get3A_0, %get3A_1] : memref<2x1000x1xf32, #tpu.memory_space<vmem>>, vector<1x1000x1xf32>
    %get3A_3 = vector.shape_cast %get3A_2 : vector<1x1000x1xf32> to vector<1000x1xf32>
    %get3A_4 = arith.constant 1 : index
    %get3A_5 = arith.constant 0 : index
    %get3A_6 = arith.constant 0 : index
    %get3A_7 = vector.load %arg2[%get3A_4, %get3A_5, %get3A_6] : memref<2x1000x1xf32, #tpu.memory_space<vmem>>, vector<1x1000x1xf32>
    %get3A_8 = vector.shape_cast %get3A_7 : vector<1x1000x1xf32> to vector<1000x1xf32>
    %add3A = arith.addf %get3A_3, %get3A_8 : vector<1000x1xf32>
    %add3A_9 = arith.constant 1.000000e+00 : f32
    %add3A_10 = vector.broadcast %add3A_9 : f32 to vector<1000x1xf32>
    %add3A_11 = arith.addf %add3A, %add3A_10 : vector<1000x1xf32>
    %rsqrt3A = math.rsqrt %add3A_11 : vector<1000x1xf32>
    %get3A_12 = arith.constant 0 : index
    %get3A_13 = arith.constant 0 : index
    %get3A_14 = arith.constant 0 : index
    %get3A_15 = vector.load %arg1[%get3A_12, %get3A_13, %get3A_14] : memref<2x1000x128xf32, #tpu.memory_space<vmem>>, vector<1x1000x128xf32>
    %get3A_16 = vector.shape_cast %get3A_15 : vector<1x1000x128xf32> to vector<1000x128xf32>
    %get3A_17 = arith.constant 1 : index
    %get3A_18 = arith.constant 0 : index
    %get3A_19 = arith.constant 0 : index
    %get3A_20 = vector.load %arg1[%get3A_17, %get3A_18, %get3A_19] : memref<2x1000x128xf32, #tpu.memory_space<vmem>>, vector<1x1000x128xf32>
    %get3A_21 = vector.shape_cast %get3A_20 : vector<1x1000x128xf32> to vector<1000x128xf32>
    %concatenate3A = tpu.concatenate %get3A_16, %get3A_21 in 1 : vector<1000x128xf32>, vector<1000x128xf32> -> vector<1000x256xf32>
    %mul3A = vector.broadcast %rsqrt3A : vector<1000x1xf32> to vector<1000x256xf32>
    %mul3A_22 = arith.mulf %concatenate3A, %mul3A : vector<1000x256xf32>
    %get3A_23 = arith.constant 0 : index
    %get3A_24 = arith.constant 0 : index
    %get3A_25 = vector.load %arg3[%get3A_23, %get3A_24] : memref<1x256xf32, #tpu.memory_space<vmem>>, vector<1x256xf32>
    %add3A_26 = vector.broadcast %get3A_25 : vector<1x256xf32> to vector<1000x256xf32>
    %add3A_27 = arith.addf %mul3A_22, %add3A_26 : vector<1000x256xf32>
    %max3A = arith.constant 0.000000e+00 : f32
    %max3A_28 = vector.broadcast %max3A : f32 to vector<1000x256xf32>
    %max3A_29 = arith.maximumf %add3A_27, %max3A_28 : vector<1000x256xf32>
    %get3A_30 = arith.constant 0 : index
    %get3A_31 = arith.constant 0 : index
    %get3A_32 = vector.load %arg4[%get3A_30, %get3A_31] : memref<256x64xf32, #tpu.memory_space<vmem>>, vector<256x64xf32>
    %dot_general3A = arith.constant dense<0.000000e+00> : vector<1000x64xf32>
    %dot_general3A_33 = tpu.matmul %max3A_29, %get3A_32, %dot_general3A {dimension_numbers = #tpu.dot_dimension_numbers<[1], [0], [0], [1], [0, 0, 1, 1], [], []>, transpose_lhs_hint = false} : vector<1000x256xf32>, vector<256x64xf32>, vector<1000x64xf32> -> vector<1000x64xf32>
    %get3A_34 = arith.constant 0 : index
    %get3A_35 = arith.constant 0 : index
    %get3A_36 = vector.load %arg5[%get3A_34, %get3A_35] : memref<1x64xf32, #tpu.memory_space<vmem>>, vector<1x64xf32>
    %add3A_37 = vector.broadcast %get3A_36 : vector<1x64xf32> to vector<1000x64xf32>
    %add3A_38 = arith.addf %dot_general3A_33, %add3A_37 : vector<1000x64xf32>
    %get3A_39 = arith.constant 0 : index
    %get3A_40 = arith.constant 0 : index
    %get3A_41 = vector.load %arg6[%get3A_39, %get3A_40] : memref<64x256xf32, #tpu.memory_space<vmem>>, vector<64x256xf32>
    %dot_general3A_42 = arith.constant dense<0.000000e+00> : vector<1000x256xf32>
    %dot_general3A_43 = tpu.matmul %add3A_38, %get3A_41, %dot_general3A_42 {dimension_numbers = #tpu.dot_dimension_numbers<[1], [0], [0], [1], [0, 0, 1, 1], [], []>, transpose_lhs_hint = false} : vector<1000x64xf32>, vector<64x256xf32>, vector<1000x256xf32> -> vector<1000x256xf32>
    %get3A_44 = arith.constant 0 : index
    %get3A_45 = arith.constant 0 : index
    %get3A_46 = vector.load %arg7[%get3A_44, %get3A_45] : memref<1x256xf32, #tpu.memory_space<vmem>>, vector<1x256xf32>
    %add3A_47 = vector.broadcast %get3A_46 : vector<1x256xf32> to vector<1000x256xf32>
    %add3A_48 = arith.addf %dot_general3A_43, %add3A_47 : vector<1000x256xf32>
    %max3A_49 = arith.constant 0.000000e+00 : f32
    %max3A_50 = vector.broadcast %max3A_49 : f32 to vector<1000x256xf32>
    %max3A_51 = arith.maximumf %add3A_48, %max3A_50 : vector<1000x256xf32>
    %get3A_52 = arith.constant 0 : index
    %get3A_53 = arith.constant 0 : index
    %get3A_54 = vector.load %arg8[%get3A_52, %get3A_53] : memref<256x128xf32, #tpu.memory_space<vmem>>, vector<256x128xf32>
    %dot_general3A_55 = arith.constant dense<0.000000e+00> : vector<1000x128xf32>
    %dot_general3A_56 = tpu.matmul %max3A_51, %get3A_54, %dot_general3A_55 {dimension_numbers = #tpu.dot_dimension_numbers<[1], [0], [0], [1], [0, 0, 1, 1], [], []>, transpose_lhs_hint = false} : vector<1000x256xf32>, vector<256x128xf32>, vector<1000x128xf32> -> vector<1000x128xf32>
    %get3A_57 = arith.constant 0 : index
    %get3A_58 = arith.constant 0 : index
    %get3A_59 = vector.load %arg9[%get3A_57, %get3A_58] : memref<1x128xf32, #tpu.memory_space<vmem>>, vector<1x128xf32>
    %add3A_60 = vector.broadcast %get3A_59 : vector<1x128xf32> to vector<1000x128xf32>
    %add3A_61 = arith.addf %dot_general3A_56, %add3A_60 : vector<1000x128xf32>
    %swap3A = arith.constant 0 : index
    %swap3A_62 = arith.constant 0 : index
    %swap3A_63 = vector.load %arg10[%swap3A, %swap3A_62] : memref<1000x128xf32, #tpu.memory_space<vmem>>, vector<1000x128xf32>
    tpu.vector_store %arg10[%swap3A, %swap3A_62], %add3A_61 {strides = array<i32>} : memref<1000x128xf32, #tpu.memory_space<vmem>>, vector<1000x128xf32>,
    %swap3A_64 = arith.constant 0 : index
    %swap3A_65 = arith.constant 0 : index
    %swap3A_66 = vector.load %arg11[%swap3A_64, %swap3A_65] : memref<1000x64xf32, #tpu.memory_space<vmem>>, vector<1000x64xf32>
    tpu.vector_store %arg11[%swap3A_64, %swap3A_65], %add3A_38 {strides = array<i32>} : memref<1000x64xf32, #tpu.memory_space<vmem>>, vector<1000x64xf32>,
    return
  }
  func.func @transform_0(%arg0: i32) -> (i32, i32, i32) {
    %c0_i32 = arith.constant 0 : i32
    %c0_i32_0 = arith.constant 0 : i32
    %c0_i32_1 = arith.constant 0 : i32
    return %c0_i32, %arg0, %c0_i32_0 : i32, i32, i32
  }
  func.func @transform_1(%arg0: i32) -> (i32, i32, i32) {
    %c0_i32 = arith.constant 0 : i32
    %c0_i32_0 = arith.constant 0 : i32
    %c0_i32_1 = arith.constant 0 : i32
    return %c0_i32, %arg0, %c0_i32_0 : i32, i32, i32
  }
  func.func @transform_2(%arg0: i32) -> (i32, i32) {
    %c0_i32 = arith.constant 0 : i32
    %c0_i32_0 = arith.constant 0 : i32
    %c0_i32_1 = arith.constant 0 : i32
    return %c0_i32, %c0_i32_0 : i32, i32
  }
  func.func @transform_3(%arg0: i32) -> (i32, i32) {
    %c0_i32 = arith.constant 0 : i32
    %c0_i32_0 = arith.constant 0 : i32
    %c0_i32_1 = arith.constant 0 : i32
    return %c0_i32, %c0_i32_0 : i32, i32
  }
  func.func @transform_4(%arg0: i32) -> (i32, i32) {
    %c0_i32 = arith.constant 0 : i32
    %c0_i32_0 = arith.constant 0 : i32
    %c0_i32_1 = arith.constant 0 : i32
    return %c0_i32, %c0_i32_0 : i32, i32
  }
  func.func @transform_5(%arg0: i32) -> (i32, i32) {
    %c0_i32 = arith.constant 0 : i32
    %c0_i32_0 = arith.constant 0 : i32
    %c0_i32_1 = arith.constant 0 : i32
    return %c0_i32, %c0_i32_0 : i32, i32
  }
  func.func @transform_6(%arg0: i32) -> (i32, i32) {
    %c0_i32 = arith.constant 0 : i32
    %c0_i32_0 = arith.constant 0 : i32
    %c0_i32_1 = arith.constant 0 : i32
    return %c0_i32, %c0_i32_0 : i32, i32
  }
  func.func @transform_7(%arg0: i32) -> (i32, i32) {
    %c0_i32 = arith.constant 0 : i32
    %c0_i32_0 = arith.constant 0 : i32
    %c0_i32_1 = arith.constant 0 : i32
    return %c0_i32, %c0_i32_0 : i32, i32
  }
  func.func @transform_8(%arg0: i32) -> (i32, i32) {
    %c0_i32 = arith.constant 0 : i32
    %c0_i32_0 = arith.constant 0 : i32
    %c0_i32_1 = arith.constant 0 : i32
    return %c0_i32, %c0_i32_0 : i32, i32
  }
  func.func @transform_9(%arg0: i32) -> (i32, i32) {
    %c0_i32 = arith.constant 0 : i32
    %c0_i32_0 = arith.constant 0 : i32
    return %arg0, %c0_i32 : i32, i32
  }
  func.func @transform_10(%arg0: i32) -> (i32, i32) {
    %c0_i32 = arith.constant 0 : i32
    %c0_i32_0 = arith.constant 0 : i32
    return %arg0, %c0_i32 : i32, i32
  }
}

</mosaic_0001>

<sc_bundles>
// kernel: kernel.6.cloned.1.call-start
scs
__scs_entry_jumppad:
0x0: {  	(pc) =	sbr.rel $0x88, $3  }
0x1: {  	(tag) =	ssettag $0x0;
	lr =	simm.s32 $0x1  }
0x2: {  	[smem:$0x3F97] =	sst lr;
	_ =	strace $0xD0000000  }
0x3: {  	_ = 	snop  }
0x4: {  	_ = 	snop  }
0x5: {  	_ = 	snop  }
0x6: {  	_ = 	snop  }
0x7: {  	_ = 	snop  }
__scs_overlays_trampoline_lowered:
0x8: {  	[smem:$0x3FA6] =	sst s0  }
0x9: {  	[smem:$0x3FA7] =	sst s1  }
0xa: {  	[smem:$0x3FA8] =	sst s2  }
0xb: {  	[smem:$0x3FA9] =	sst s3  }
0xc: {  	[smem:$0x3FAA] =	sst s4  }
0xd: {  	[smem:$0x3FAB] =	sst s5  }
0xe: {  	[smem:$0x3FAC] =	sst s6  }
0xf: {  	[smem:$0x3FAD] =	sst s7  }
0x10: {  	[smem:$0x3FAE] =	sst s8  }
0x11: {  	[smem:$0x3FAF] =	sst s9;
	s0 =	simm.s32 @!p0 $0x0  }
0x12: {  	s1 =	sld [smem:$0x3F95];
	s0 =	simm.s32 @p0 $0x1  }
0x13: {  	[smem:$0x3FB0] =	sst s0;
	s0 =	simm.s32 @!p1 $0x0  }
0x14: {  	s2 =	sld [smem:$0x3F94];
	s0 =	simm.s32 @p1 $0x1  }
0x15: {  	[smem:$0x3FB1] =	sst s0;
	s0 =	simm.s32 @!p2 $0x0  }
0x16: {  	s3 =	sld [smem:$0x3FDB];
	s0 =	simm.s32 @p2 $0x1  }
0x17: {  	s4 =	simm.s32 $0x1BF5;
	[smem:$0x3FB3] =	sst s0  }
0x18: {  	s0 =	sld [smem:$0x3F96];
	_ =	swait.ge [sflag:s4], $0x0  }
0x19: {  	s7 =	sld [smem:$0x3F97]  }
0x1a: {  	s8 =	sadd.s32 $0xFFFFE003, lr  }
0x1b: {  	s9 =	sadd.s32 $0xFFFFFEF7, lr;
	s5 =	simm.s32 $0xFFFFFFFF;
	p2 =	slt.u32 s8, $0xFFFFF086  }
0x1c: {  	p1 =	slt.u32 s9, $0xF7A;
	s5 =	simm.s32 @!p2 $0x0  }
0x1d: {  	s5 =	simm.s32 @p1 $0x1;
	p0 =	seq.s32 s7, s2  }
0x1e: {  	s7 =	smul.u32 @!p0 $0xF7A, s2;
	p2 =	seq.s32 @!p0 s5, $0x0  }
0x1f: {  	s9 =	smul.u32 $0xF7A, s1;
	s8 =	simm.s32 @!p0 $0x1BF5;
	p2 =	por !p2, p0  }
0x20: {  	[sflag:s8] =	ssyncset.s32 @!p0 $0xFFFFF086;
	s6 =	sadd.s32 @!p0 s3, s7;
	s7 =	simm.s32 @!p0 $0x108  }
0x21: {  	s3 =	sadd.s32 s3, s9;
	s6 =	sadd.s32 @!p0 $0x88, s6;
	s7 =	simm.s32 @p2 $0x1082  }
0x22: {  	[simem:s7], [sflag:s8] =	dma.local @!p0 [hbm:s6], $0xF7A  }
0x23: {  	s9 =	sor.u32 $0xD0000000, s2;
	s6 =	simm.s32 $0x108;
	_ =	swait.ge @!p0 [sflag:s8], $0x0  }
0x24: {  	s3 =	sadd.s32 $0x88, s3;
	s6 =	simm.s32 @!p1 $0x1082;
	[sflag:s4] =	ssyncset.s32 $0xFFFFF086  }
0x25: {  	[simem:s6], [sflag:s4] =	dma.local [hbm:s3], $0xF7A  }
0x26: {  	[smem:$0x3F97] =	sst s1;
	(tag) =	ssettag s2;
	_ =	strace s9  }
0x27: {  	s1 =	sld [smem:$0x3FA7]  }
0x28: {  	s2 =	sld [smem:$0x3FA8]  }
0x29: {  	s4 =	sld [smem:$0x3FAA]  }
0x2a: {  	p0 =	seq.s32 s5, $0x0;
	s5 =	sld [smem:$0x3FAB]  }
0x2b: {  	s6 =	sld [smem:$0x3FAC]  }
0x2c: {  	s7 =	sld [smem:$0x3FAD]  }
0x2d: {  	s3 =	simm.s32 $0x108;
	s8 =	sld [smem:$0x3FAE]  }
0x2e: {  	s3 =	simm.s32 @!p0 $0x1082;
	s9 =	sld [smem:$0x3FAF]  }
0x2f: {  	lr =	sadd.s32 s0, s3;
	s0 =	sld [smem:$0x3FA6]  }
0x30: {  	s3 =	sld [smem:$0x3FA9]  }
0x31: {  	[smem:$0x3FB2] =	sst s10  }
0x32: {  	s10 =	sld [smem:$0x3FB0];
	_ =	sdelay $0x3  }
0x33: {  	p0 =	seq.s32 s10, $0x1;
	s10 =	sld [smem:$0x3FB2];
	_ =	sdelay $0x3  }
0x34: {  	[smem:$0x3FB2] =	sst s10  }
0x35: {  	s10 =	sld [smem:$0x3FB1];
	_ =	sdelay $0x3  }
0x36: {  	p1 =	seq.s32 s10, $0x1;
	s10 =	sld [smem:$0x3FB2];
	_ =	sdelay $0x3  }
0x37: {  	[smem:$0x3FB2] =	sst s10  }
0x38: {  	s10 =	sld [smem:$0x3FB3]  }
0x39: {  	_ = 	snop;
	(pc) =	sbr.ind lr, $3  }
0x3a: {  	_ = 	snop  }
0x3b: {  	_ = 	snop  }
0x3c: {  	p2 =	seq.s32 s10, $0x1;
	s10 =	sld [smem:$0x3FB2]  }
0x3d: {  	_ =	shalt  }
0x3e: {  	_ =	shalt  }
0x3f: {  	_ =	shalt  }
0x40: {  	_ =	shalt  }
0x41: {  	_ =	shalt  }
0x42: {  	_ =	shalt  }
0x43: {  	_ =	shalt  }
0x44: {  	_ =	shalt  }
0x45: {  	_ =	shalt  }
0x46: {  	_ =	shalt  }
0x47: {  	_ =	shalt  }
0x48: {  	_ =	shalt  }
0x49: {  	_ =	shalt  }
0x4a: {  	_ =	shalt  }
0x4b: {  	_ =	shalt  }
0x4c: {  	_ =	shalt  }
0x4d: {  	_ =	shalt  }
0x4e: {  	_ =	shalt  }
0x4f: {  	_ =	shalt  }
0x50: {  	_ =	shalt  }
0x51: {  	_ =	shalt  }
0x52: {  	_ =	shalt  }
0x53: {  	_ =	shalt  }
0x54: {  	_ =	shalt  }
0x55: {  	_ =	shalt  }
0x56: {  	_ =	shalt  }
0x57: {  	_ =	shalt  }
0x58: {  	_ =	shalt  }
0x59: {  	_ =	shalt  }
0x5a: {  	_ =	shalt  }
0x5b: {  	_ =	shalt  }
0x5c: {  	_ =	shalt  }
0x5d: {  	_ =	shalt  }
0x5e: {  	_ =	shalt  }
0x5f: {  	_ =	shalt  }
0x60: {  	_ =	shalt  }
0x61: {  	_ =	shalt  }
0x62: {  	_ =	shalt  }
0x63: {  	_ =	shalt  }
0x64: {  	_ =	shalt  }
0x65: {  	_ =	shalt  }
0x66: {  	_ =	shalt  }
0x67: {  	_ =	shalt  }
0x68: {  	_ =	shalt  }
0x69: {  	_ =	shalt  }
0x6a: {  	_ =	shalt  }
0x6b: {  	_ =	shalt  }
0x6c: {  	_ =	shalt  }
0x6d: {  	_ =	shalt  }
0x6e: {  	_ =	shalt  }
0x6f: {  	_ =	shalt  }
0x70: {  	_ =	shalt  }
0x71: {  	_ =	shalt  }
0x72: {  	_ =	shalt  }
0x73: {  	_ =	shalt  }
0x74: {  	_ =	shalt  }
0x75: {  	_ =	shalt  }
0x76: {  	_ =	shalt  }
0x77: {  	_ =	shalt  }
0x78: {  	_ =	shalt  }
0x79: {  	_ =	shalt  }
0x7a: {  	_ =	shalt  }
0x7b: {  	_ =	shalt  }
0x7c: {  	_ =	shalt  }
0x7d: {  	_ =	shalt  }
0x7e: {  	_ =	shalt  }
0x7f: {  	_ =	shalt  }
0x80: {  	_ =	shalt  }
0x81: {  	_ =	shalt  }
0x82: {  	_ =	shalt  }
0x83: {  	_ =	shalt  }
0x84: {  	_ =	shalt  }
0x85: {  	_ =	shalt  }
0x86: {  	_ =	shalt  }
0x87: {  	_ =	shalt  }
.Lfunc_end0:
.L_simem_size_0:
called_computation_lowered:
.L_overlay_start_0:
0x88: {  	s2 =	sld [smem:$0x3FD9]  }
0x89: {  	s3 =	sld [smem:$0x3FFE];
	_ =	sdelay $0x1  }
0x8a: {  	s1 =	srdreg.scid  }
0x8b: {  	s0 =	sand.u32 $0x1, s1  }
0x8c: {  	s14 =	sshll.u32 s0, $0xA;
	s2 =	sadd.s32 s3, s2  }
0x8d: {  	s2 =	sadd.s32 s2, s14  }
0x8e: {  	[smem:$0x3FBE] =	sst s2  }
0x8f: {  	_ = 	snop  }
0x90: {  	s2 =	sld [smem:$0x3FD0];
	_ =	sdelay $0x2  }
0x91: {  	s15 =	simm.s32 $0xA;
	s4 =	simm.s32 $0x10  }
0x92: {  	[smem:s4], [sflag:s15] =	dma.local [hbm:s2], $0x1  }
0x93: {  	_ =	swait.eq [sflag:s15], $0x1  }
0x94: {  	[sflag:s15] =	ssyncset.done $0x0  }
0x95: {  	[sflag:s15] =	ssyncadd.s32 $0xFFFFFFFF  }
0x96: {  	s16 =	sld [smem:$0x11];
	(tm) =	ssettm $0x1  }
0x97: {  	s17 =	sld [smem:$0x3FFB];
	_ =	sdelay $0x3  }
0x98: {  	_ =	strace s17  }
0x99: {  	s3 =	sld [smem:$0x3FFC];
	_ =	sdelay $0x3  }
0x9a: {  	_ =	strace s3  }
0x9b: {  	s3 =	sld [smem:$0x3FFD];
	_ =	sdelay $0x3  }
0x9c: {  	_ =	strace s3  }
0x9d: {  	_ =	strace $0x8FFFFFFF  }
0x9e: {  	s18 =	sld [smem:$0x3FDB];
	_ =	sdelay $0x1  }
0x9f: {  	s19 =	simm.s32 $_scs_section_size  }
0xa0: {  	s5 =	simm.s32 $_size__tile_overlayer_lowered;
	s6 =	simm.s32 $_tile_overlayer_lowered  }
0xa1: {  	s22 =	simm.s32 $0x1BFF;
	s21 =	sshll.u32 s6, $0x1;
	s3 =	sadd.s32 s19, s18  }
0xa2: {  	s7 =	simm.s32 $0x0;
	s20 =	sshll.u32 s5, $0x1;
	s5 =	sadd.s32 s21, s3  }
0xa3: {  	[timem:s7], [sflag:s22] =	dma.local [hbm:s5], s20  }
0xa4: {  	_ =	swait.ge [sflag:s22], s20  }
0xa5: {  	s4 =	ssub.s32 $0x0, s20;
	[sflag:s22] =	ssyncset.done $0x0  }
0xa6: {  	[sflag:s22] =	ssyncadd.s32 s4;
	_ =	sdelay $0x1  }
0xa7: {  	s23 =	simm.s32 $0x1B8B  }
0xa8: {  	_ =	swait.ge [sflag:s23], $0x1  }
0xa9: {  	[sflag:s23] =	ssyncset.done $0x0  }
0xaa: {  	s25 =	simm.s32 $0x1B8E;
	s24 =	sld [smem:$0x3FFE];
	[sflag:s23] =	ssyncadd.s32 $0xFFFFFFFF  }
0xab: {  	s26 =	simm.s32 $execute0_lowered;
	[smem:$0x3FD2] =	sst s25  }
0xac: {  	s5 =	sshll.u32 s26, $0x1;
	_ =	strace $0x80000046;
	[dreg:$0x1] =	wrdreg $0xFFFFFFFF  }
0xad: {  	s28 =	simm.s32 $_size_execute0_lowered;
	s3 =	sadd.s32 s3, s5;
	[dreg:$0x0] =	wrdreg $0x0  }
0xae: {  	s5 =	sshll.u32 s28, $0x1;
	[dreg:$0x2] =	wrdreg s3  }
0xaf: {  	[dreg:$0x3] =	wrdreg s5  }
0xb0: {  	[dreg:$0x4] =	wrdreg $0xC0  }
0xb1: {  	_ =	task [dreg:s7], $0x5FFFF  }
0xb2: {  	[dreg:$0x1] =	wrdreg $0xFFFFFFFF  }
0xb3: {  	[dreg:$0x0] =	wrdreg $0x60  }
0xb4: {  	[dreg:$0x2] =	wrdreg s16  }
0xb5: {  	[dreg:$0x3] =	wrdreg s24  }
0xb6: {  	[dreg:$0x4] =	wrdreg $0x2B000  }
0xb7: {  	[dreg:$0x5] =	wrdreg $0x9  }
0xb8: {  	_ =	task.clear_ibuf [dreg:s7], $0x6FFFF;
	_ =	strace $0x90000046  }
0xb9: {  	s29 =	simm.s32 $0x9;
	_ =	strace $0x80000048  }
0xba: {  	_ =	swait.ge [sflag:s29], $0x1  }
0xbb: {  	[sflag:s29] =	ssyncadd.s32 $0xFFFFFFFF  }
0xbc: {  	_ =	strace $0x90000048  }
0xbd: {  	_ =	sfence  }
0xbe: {  	s30 =	sld [smem:$0x0];
	_ =	sdelay $0x2  }
0xbf: {  	s31 =	sshll.u32 s1, $0xD;
	s1 =	sshrl.u32 s1, $0x2  }
0xc0: {  	s3 =	sand.u32 $0x4000, s31;
	s1 =	sadd.s32 s1, s30  }
0xc1: {  	s0 =	sor.u32 s3, s0;
	s1 =	sshll.u32 s1, $0x11  }
0xc2: {  	s0 =	sor.u32 s1, s0  }
0xc3: {  	s0 =	sadd.s32 $0x8F2B, s0  }
0xc4: {  	[sflag:s0] =	ssyncadd.remote.s32 $0x1  }
0xc5: {  	_ =	sfence.sel $0xFFFF  }
0xc6: {  	[dreg:$0x0] =	wrdreg $0xFFFFFFFF;
	(pc) =	sbr.abs _section_cstart, $3  }
0xc7: {  	[dreg:$0x1] =	wrdreg $0xFFFFFFFF  }
0xc8: {  	_ =	task.clear_ibuf [dreg:s7], $0x2FFFF;
	_ =	strace $0x9FFFFFFF  }
0xc9: {  	(tm) =	ssettm $0x7FFFFFFF  }
tec
execute0_lowered:
.L_overlay_start_1:
0x0: {  	(tag) =	ssettag $0x1  }
0x1: {  	s4 =	rddreg [dreg:$0x0]  }
0x2: {  	s7 =	rddreg [dreg:$0x1]  }
0x3: {  	s0 =	srdreg.scid;
	s2 =	rddreg [dreg:$0x2]  }
0x4: {  	s1 =	stileid.u32;
	s3 =	simm.s32 $0x0;
	s11 =	simm.s32 $0x2800  }
0x5: {  	s14 =	simm.s32 $0x0;
	s5 =	sand.u32 $0x1, s0;
	s0 =	rddreg [dreg:$0x3]  }
0x6: {  	[smem:$0x7FF] =	sst s3;
	s10 =	smul.u32 $0x280, s1;
	s12 =	sshll.u32 s1, $0x6  }
0x7: {  	s6 =	sshll.u32 s5, $0x4;
	s8 =	ssub.s32 $0x2, s5;
	_ =	strace $0x80000047  }
0x8: {  	p0 =	seq.s32 s5, $0x1;
	s12 =	sor.u32 $0x1C01, s12;
	s6 =	sor.u32 s1, s6  }
0x9: {  	s9 =	sshrl.u32 s8, $0x1;
	s5 =	sadd.s32 s10, s2;
	s6 =	smul.u32 $0x500, s6  }
0xa: {  	s10 =	sshrl.u32 s10, $0x3;
	s8 =	ssub.s32 s8, s9;
	s9 =	simm.s32 $0x2A00  }
0xb: {  	s13 =	sshrl.u32 s5, $0x3;
	s9 =	simm.s32 @!p0 $0x2400;
	s4 =	sadd.s32 s4, s6  }
0xc: {  	s6 =	smax.u32 s8, $0x1;
	s7 =	sadd.s32 s9, s7;
	s8 =	simm.s32 $0x1  }
0xd: {  	v0 =	vimm.f32 $1.000000000e+00;
	v1 =	vimm.f32 $0.0e+00;
	s9 =	simm.s32 $0x2880;
	s7 =	sadd.s32 s7, s10;
	s10 =	simm.s32 $0x80  }
.LBB2_1:
0xe: {  	[tilespmem:s3], [sflag:$0x1] =	stream.linear.gather [hbm4b:s4+s3], $0x2800, $0x38;
	[tilespmem:$0x2D80] =	vst v63  }
0xf: {  	_ =	swait.ge [sflag:s8], $0x2800  }
0x10: {  	[sflag:s8] =	ssyncset.done $0x0  }
0x11: {  	[sflag:s8] =	ssyncadd.s32 $0xFFFFD800  }
0x12: {  	[tilespmem:$0x2800] =	vst v0  }
0x13: {  	[tilespmem:$0x2810] =	vst v0  }
0x14: {  	[tilespmem:$0x2820] =	vst v0  }
0x15: {  	[tilespmem:$0x2830] =	vst v0  }
0x16: {  	[tilespmem:$0x2840] =	vst v0  }
0x17: {  	[tilespmem:$0x2850] =	vst v0  }
0x18: {  	[tilespmem:$0x2860] =	vst v0  }
0x19: {  	[tilespmem:$0x2870] =	vst v0  }
0x1a: {  	[tilespmem:$0x2880] =	vst v1  }
0x1b: {  	[tilespmem:$0x2890] =	vst v1  }
0x1c: {  	[tilespmem:$0x28A0] =	vst v1  }
0x1d: {  	[tilespmem:$0x28B0] =	vst v1  }
0x1e: {  	[tilespmem:$0x28C0] =	vst v1  }
0x1f: {  	[tilespmem:$0x28D0] =	vst v1  }
0x20: {  	[tilespmem:$0x28E0] =	vst v1  }
0x21: {  	[tilespmem:$0x28F0] =	vst v1  }
0x22: {  	[tilespmem:$0x2900] =	vst v1  }
0x23: {  	[tilespmem:$0x2910] =	vst v1  }
0x24: {  	[tilespmem:$0x2920] =	vst v1  }
0x25: {  	[tilespmem:$0x2930] =	vst v1  }
0x26: {  	[tilespmem:$0x2940] =	vst v1  }
0x27: {  	[tilespmem:$0x2950] =	vst v1  }
0x28: {  	[tilespmem:$0x2960] =	vst v1  }
0x29: {  	[tilespmem:$0x2970] =	vst v1  }
0x2a: {  	[tilespmem:$0x2980] =	vst v1  }
0x2b: {  	[tilespmem:$0x2990] =	vst v1  }
0x2c: {  	[tilespmem:$0x29A0] =	vst v1  }
0x2d: {  	[tilespmem:$0x29B0] =	vst v1  }
0x2e: {  	[tilespmem:$0x29C0] =	vst v1  }
0x2f: {  	[tilespmem:$0x29D0] =	vst v1  }
0x30: {  	[tilespmem:$0x29E0] =	vst v1  }
0x31: {  	[tilespmem:$0x29F0] =	vst v1  }
0x32: {  	[tilespmem:$0x2A00] =	vst v1  }
0x33: {  	[tilespmem:$0x2A10] =	vst v1  }
0x34: {  	[tilespmem:$0x2A20] =	vst v1  }
0x35: {  	[tilespmem:$0x2A30] =	vst v1  }
0x36: {  	[tilespmem:$0x2A40] =	vst v1  }
0x37: {  	[tilespmem:$0x2A50] =	vst v1  }
0x38: {  	[tilespmem:$0x2A60] =	vst v1  }
0x39: {  	[tilespmem:$0x2A70] =	vst v1  }
0x3a: {  	[tilespmem:$0x2A80] =	vst v1  }
0x3b: {  	[tilespmem:$0x2A90] =	vst v1  }
0x3c: {  	[tilespmem:$0x2AA0] =	vst v1  }
0x3d: {  	[tilespmem:$0x2AB0] =	vst v1  }
0x3e: {  	[tilespmem:$0x2AC0] =	vst v1  }
0x3f: {  	[tilespmem:$0x2AD0] =	vst v1  }
0x40: {  	[tilespmem:$0x2AE0] =	vst v1  }
0x41: {  	[tilespmem:$0x2AF0] =	vst v1  }
0x42: {  	[spmem:s5] =	stream.linear.scatter [tilespmem:s9], [sflag:$0x1], $0x280, $0x38;
	[tilespmem:$0x2D80] =	vst v63  }
0x43: {  	_ =	swait.ge [sflag:s8], $0x280  }
0x44: {  	[sflag:s8] =	ssyncset.done $0x0  }
0x45: {  	[sflag:s8] =	ssyncadd.s32 $0xFFFFFD80  }
0x46: {  	s15 =	simm.s32 $0x0;
	[bflag:$0x0] =	sbarrier.arrive $0xFFFF  }
0x47: {  	[spmem:s2] =	stream.indirect.scatter.add.f32 [tilespmem:s11], [sflag:$0x1], $0x1, s15, s10, $0xb8;
	[tilespmem:$0x2D80] =	vst v63  }
0x48: {  	_ =	swait.ge [sflag:s8], $0x80  }
0x49: {  	s15 =	simm.s32 $0x200;
	[sflag:s8] =	ssyncset.done $0x0  }
.LBB2_2:
0x4a: {  	s16 =	sshra.s32 s15, $0x2;
	[sflag:s8] =	ssyncadd.s32 $0xFFFFFF80;
	p0 =	sne.s32 s15, $0x9E00  }
0x4b: {  	[spmem:s2] =	stream.indirect.scatter.add.f32 [tilespmem:s11], [sflag:$0x1], $0x1, s16, s10, $0xb8;
	[tilespmem:$0x2D80] =	vst v63  }
.Ltmp0:
0x4c: {  	_ = 	snop;
	(pc) =	sbr.rel @p0 .LBB2_2-.Ltmp0, $4  }
0x4d: {  	_ = 	snop  }
0x4e: {  	s15 =	sadd.s32 $0x200, s15  }
0x4f: {  	_ =	swait.ge [sflag:s8], $0x80  }
0x50: {  	[sflag:s8] =	ssyncset.done $0x0  }
0x51: {  	s14 =	sadd.s32 $0x1, s14  }
0x52: {  	[sflag:s8] =	ssyncadd.s32 $0xFFFFFF80;
	p0 =	sne.s32 s14, s6  }
.Ltmp1:
0x53: {  	[bflag:$0x0] =	sbarrier.arrive $0xFFFF;
	(pc) =	sbr.rel @p0 .LBB2_1-.Ltmp1, $4  }
0x54: {  	[hbm:s7], [sflag:s12] =	dma.local [spmem:s13], $0x50  }
0x55: {  	_ =	swait.ge [sflag:s8], $0x50  }
0x56: {  	[sflag:s8] =	ssyncset.done $0x0  }
0x57: {  	[sflag:s8] =	ssyncadd.s32 $0xFFFFFFB0  }
0x58: {  	_ =	sfence.sel $0x180000  }
0x59: {  	[bflag:$0x0] =	sbarrier.arrive $0xFFFF  }
0x5a: {  	p0 =	sne.s32 s1, $0x0;
	_ =	strace $0x90000047  }
0x5b: {  	s0 =	sadd.s32 @!p0 $0x100000, s0;
	[bflag:$0x2] =	sbarrier.arrive $0xFFFF  }
0x5c: {  	[sflag:s0] =	ssyncadd.tile.s32 @!p0 $0x1;
	_ =	shalt  }
.Lfunc_end2:
_tile_overlayer_lowered:
.L_overlay_start_2:
0x5d: {  	(tag) =	ssettag $0x2  }
0x5e: {  	s0 =	rddreg [dreg:$0x0];
	s2 =	stileid.u32  }
0x5f: {  	s1 =	rddreg [dreg:$0x1];
	p0 =	sne.s32 s2, $0x0  }
0x60: {  	s3 =	rddreg [dreg:$0x2];
	[bflag:$0x3] =	sbarrier.arrive $0xFFFF;
	s2 =	simm.s32 @!p0 $0x1C01  }
0x61: {  	[timem:s3], [sflag:s2] =	dma.local @!p0 [hbm:s0], s1  }
0x62: {  	s0 =	simm.s32 @!p0 $0x1  }
0x63: {  	_ =	swait.ge @!p0 [sflag:s0], s1  }
0x64: {  	s1 =	ssub.s32 @!p0 $0x0, s1;
	[sflag:s0] =	ssyncset.done @!p0 $0x0  }
0x65: {  	[sflag:s0] =	ssyncadd.s32 @!p0 s1  }
0x66: {  	[bflag:$0x3] =	sbarrier.arrive $0xFFFF  }
0x67: {  	_ =	shalt  }

// kernel: kernel.9.cloned.1.call-start
scs
__scs_entry_jumppad:
0x0: {  	(pc) =	sbr.rel $0x88, $3  }
0x1: {  	(tag) =	ssettag $0x0;
	lr =	simm.s32 $0x1  }
0x2: {  	[smem:$0x3F97] =	sst lr;
	_ =	strace $0xD0000000  }
0x3: {  	_ = 	snop  }
0x4: {  	_ = 	snop  }
0x5: {  	_ = 	snop  }
0x6: {  	_ = 	snop  }
0x7: {  	_ = 	snop  }
__scs_overlays_trampoline_lowered:
0x8: {  	[smem:$0x3FA6] =	sst s0  }
0x9: {  	[smem:$0x3FA7] =	sst s1  }
0xa: {  	[smem:$0x3FA8] =	sst s2  }
0xb: {  	[smem:$0x3FA9] =	sst s3  }
0xc: {  	[smem:$0x3FAA] =	sst s4  }
0xd: {  	[smem:$0x3FAB] =	sst s5  }
0xe: {  	[smem:$0x3FAC] =	sst s6  }
0xf: {  	[smem:$0x3FAD] =	sst s7  }
0x10: {  	[smem:$0x3FAE] =	sst s8  }
0x11: {  	[smem:$0x3FAF] =	sst s9;
	s0 =	simm.s32 @!p0 $0x0  }
0x12: {  	s1 =	sld [smem:$0x3F95];
	s0 =	simm.s32 @p0 $0x1  }
0x13: {  	[smem:$0x3FB0] =	sst s0;
	s0 =	simm.s32 @!p1 $0x0  }
0x14: {  	s2 =	sld [smem:$0x3F94];
	s0 =	simm.s32 @p1 $0x1  }
0x15: {  	[smem:$0x3FB1] =	sst s0;
	s0 =	simm.s32 @!p2 $0x0  }
0x16: {  	s3 =	sld [smem:$0x3FDB];
	s0 =	simm.s32 @p2 $0x1  }
0x17: {  	s4 =	simm.s32 $0x1BF5;
	[smem:$0x3FB3] =	sst s0  }
0x18: {  	s0 =	sld [smem:$0x3F96];
	_ =	swait.ge [sflag:s4], $0x0  }
0x19: {  	s7 =	sld [smem:$0x3F97]  }
0x1a: {  	s8 =	sadd.s32 $0xFFFFE003, lr  }
0x1b: {  	s9 =	sadd.s32 $0xFFFFFEF7, lr;
	s5 =	simm.s32 $0xFFFFFFFF;
	p2 =	slt.u32 s8, $0xFFFFF086  }
0x1c: {  	p1 =	slt.u32 s9, $0xF7A;
	s5 =	simm.s32 @!p2 $0x0  }
0x1d: {  	s5 =	simm.s32 @p1 $0x1;
	p0 =	seq.s32 s7, s2  }
0x1e: {  	s7 =	smul.u32 @!p0 $0xF7A, s2;
	p2 =	seq.s32 @!p0 s5, $0x0  }
0x1f: {  	s9 =	smul.u32 $0xF7A, s1;
	s8 =	simm.s32 @!p0 $0x1BF5;
	p2 =	por !p2, p0  }
0x20: {  	[sflag:s8] =	ssyncset.s32 @!p0 $0xFFFFF086;
	s6 =	sadd.s32 @!p0 s3, s7;
	s7 =	simm.s32 @!p0 $0x108  }
0x21: {  	s3 =	sadd.s32 s3, s9;
	s6 =	sadd.s32 @!p0 $0x88, s6;
	s7 =	simm.s32 @p2 $0x1082  }
0x22: {  	[simem:s7], [sflag:s8] =	dma.local @!p0 [hbm:s6], $0xF7A  }
0x23: {  	s9 =	sor.u32 $0xD0000000, s2;
	s6 =	simm.s32 $0x108;
	_ =	swait.ge @!p0 [sflag:s8], $0x0  }
0x24: {  	s3 =	sadd.s32 $0x88, s3;
	s6 =	simm.s32 @!p1 $0x1082;
	[sflag:s4] =	ssyncset.s32 $0xFFFFF086  }
0x25: {  	[simem:s6], [sflag:s4] =	dma.local [hbm:s3], $0xF7A  }
0x26: {  	[smem:$0x3F97] =	sst s1;
	(tag) =	ssettag s2;
	_ =	strace s9  }
0x27: {  	s1 =	sld [smem:$0x3FA7]  }
0x28: {  	s2 =	sld [smem:$0x3FA8]  }
0x29: {  	s4 =	sld [smem:$0x3FAA]  }
0x2a: {  	p0 =	seq.s32 s5, $0x0;
	s5 =	sld [smem:$0x3FAB]  }
0x2b: {  	s6 =	sld [smem:$0x3FAC]  }
0x2c: {  	s7 =	sld [smem:$0x3FAD]  }
0x2d: {  	s3 =	simm.s32 $0x108;
	s8 =	sld [smem:$0x3FAE]  }
0x2e: {  	s3 =	simm.s32 @!p0 $0x1082;
	s9 =	sld [smem:$0x3FAF]  }
0x2f: {  	lr =	sadd.s32 s0, s3;
	s0 =	sld [smem:$0x3FA6]  }
0x30: {  	s3 =	sld [smem:$0x3FA9]  }
0x31: {  	[smem:$0x3FB2] =	sst s10  }
0x32: {  	s10 =	sld [smem:$0x3FB0];
	_ =	sdelay $0x3  }
0x33: {  	p0 =	seq.s32 s10, $0x1;
	s10 =	sld [smem:$0x3FB2];
	_ =	sdelay $0x3  }
0x34: {  	[smem:$0x3FB2] =	sst s10  }
0x35: {  	s10 =	sld [smem:$0x3FB1];
	_ =	sdelay $0x3  }
0x36: {  	p1 =	seq.s32 s10, $0x1;
	s10 =	sld [smem:$0x3FB2];
	_ =	sdelay $0x3  }
0x37: {  	[smem:$0x3FB2] =	sst s10  }
0x38: {  	s10 =	sld [smem:$0x3FB3]  }
0x39: {  	_ = 	snop;
	(pc) =	sbr.ind lr, $3  }
0x3a: {  	_ = 	snop  }
0x3b: {  	_ = 	snop  }
0x3c: {  	p2 =	seq.s32 s10, $0x1;
	s10 =	sld [smem:$0x3FB2]  }
0x3d: {  	_ =	shalt  }
0x3e: {  	_ =	shalt  }
0x3f: {  	_ =	shalt  }
0x40: {  	_ =	shalt  }
0x41: {  	_ =	shalt  }
0x42: {  	_ =	shalt  }
0x43: {  	_ =	shalt  }
0x44: {  	_ =	shalt  }
0x45: {  	_ =	shalt  }
0x46: {  	_ =	shalt  }
0x47: {  	_ =	shalt  }
0x48: {  	_ =	shalt  }
0x49: {  	_ =	shalt  }
0x4a: {  	_ =	shalt  }
0x4b: {  	_ =	shalt  }
0x4c: {  	_ =	shalt  }
0x4d: {  	_ =	shalt  }
0x4e: {  	_ =	shalt  }
0x4f: {  	_ =	shalt  }
0x50: {  	_ =	shalt  }
0x51: {  	_ =	shalt  }
0x52: {  	_ =	shalt  }
0x53: {  	_ =	shalt  }
0x54: {  	_ =	shalt  }
0x55: {  	_ =	shalt  }
0x56: {  	_ =	shalt  }
0x57: {  	_ =	shalt  }
0x58: {  	_ =	shalt  }
0x59: {  	_ =	shalt  }
0x5a: {  	_ =	shalt  }
0x5b: {  	_ =	shalt  }
0x5c: {  	_ =	shalt  }
0x5d: {  	_ =	shalt  }
0x5e: {  	_ =	shalt  }
0x5f: {  	_ =	shalt  }
0x60: {  	_ =	shalt  }
0x61: {  	_ =	shalt  }
0x62: {  	_ =	shalt  }
0x63: {  	_ =	shalt  }
0x64: {  	_ =	shalt  }
0x65: {  	_ =	shalt  }
0x66: {  	_ =	shalt  }
0x67: {  	_ =	shalt  }
0x68: {  	_ =	shalt  }
0x69: {  	_ =	shalt  }
0x6a: {  	_ =	shalt  }
0x6b: {  	_ =	shalt  }
0x6c: {  	_ =	shalt  }
0x6d: {  	_ =	shalt  }
0x6e: {  	_ =	shalt  }
0x6f: {  	_ =	shalt  }
0x70: {  	_ =	shalt  }
0x71: {  	_ =	shalt  }
0x72: {  	_ =	shalt  }
0x73: {  	_ =	shalt  }
0x74: {  	_ =	shalt  }
0x75: {  	_ =	shalt  }
0x76: {  	_ =	shalt  }
0x77: {  	_ =	shalt  }
0x78: {  	_ =	shalt  }
0x79: {  	_ =	shalt  }
0x7a: {  	_ =	shalt  }
0x7b: {  	_ =	shalt  }
0x7c: {  	_ =	shalt  }
0x7d: {  	_ =	shalt  }
0x7e: {  	_ =	shalt  }
0x7f: {  	_ =	shalt  }
0x80: {  	_ =	shalt  }
0x81: {  	_ =	shalt  }
0x82: {  	_ =	shalt  }
0x83: {  	_ =	shalt  }
0x84: {  	_ =	shalt  }
0x85: {  	_ =	shalt  }
0x86: {  	_ =	shalt  }
0x87: {  	_ =	shalt  }
.Lfunc_end0:
.L_simem_size_0:
called_computation.1_lowered:
.L_overlay_start_0:
0x88: {  	s2 =	sld [smem:$0x3FD9]  }
0x89: {  	s3 =	sld [smem:$0x3FFE];
	_ =	sdelay $0x1  }
0x8a: {  	s1 =	srdreg.scid  }
0x8b: {  	s0 =	sand.u32 $0x1, s1  }
0x8c: {  	s14 =	sshll.u32 s0, $0xA;
	s2 =	sadd.s32 s3, s2  }
0x8d: {  	s2 =	sadd.s32 s2, s14  }
0x8e: {  	[smem:$0x3FBE] =	sst s2  }
0x8f: {  	_ = 	snop  }
0x90: {  	s2 =	sld [smem:$0x3FD0];
	_ =	sdelay $0x2  }
0x91: {  	s15 =	simm.s32 $0xA;
	s4 =	simm.s32 $0x10  }
0x92: {  	[smem:s4], [sflag:s15] =	dma.local [hbm:s2], $0x1  }
0x93: {  	_ =	swait.eq [sflag:s15], $0x1  }
0x94: {  	[sflag:s15] =	ssyncset.done $0x0  }
0x95: {  	s16 =	sld [smem:$0x10];
	[sflag:s15] =	ssyncadd.s32 $0xFFFFFFFF  }
0x96: {  	s17 =	sld [smem:$0x11];
	(tm) =	ssettm $0x1  }
0x97: {  	s18 =	sld [smem:$0x3FFB];
	_ =	sdelay $0x3  }
0x98: {  	_ =	strace s18  }
0x99: {  	s4 =	sld [smem:$0x3FFC];
	_ =	sdelay $0x3  }
0x9a: {  	_ =	strace s4  }
0x9b: {  	s4 =	sld [smem:$0x3FFD];
	_ =	sdelay $0x3  }
0x9c: {  	_ =	strace s4  }
0x9d: {  	_ =	strace $0x8FFFFFFF  }
0x9e: {  	s19 =	sld [smem:$0x3FDB];
	_ =	sdelay $0x1  }
0x9f: {  	s5 =	simm.s32 $_scs_section_size  }
0xa0: {  	s6 =	simm.s32 $_size__tile_overlayer_lowered;
	s7 =	simm.s32 $_tile_overlayer_lowered  }
0xa1: {  	s22 =	simm.s32 $0x1BFF;
	s21 =	sshll.u32 s7, $0x1;
	s4 =	sadd.s32 s5, s19  }
0xa2: {  	s8 =	simm.s32 $0x0;
	s20 =	sshll.u32 s6, $0x1;
	s6 =	sadd.s32 s21, s4  }
0xa3: {  	[timem:s8], [sflag:s22] =	dma.local [hbm:s6], s20  }
0xa4: {  	_ =	swait.ge [sflag:s22], s20  }
0xa5: {  	s5 =	ssub.s32 $0x0, s20;
	[sflag:s22] =	ssyncset.done $0x0  }
0xa6: {  	[sflag:s22] =	ssyncadd.s32 s5;
	_ =	sdelay $0x1  }
0xa7: {  	s23 =	simm.s32 $0x1B8B  }
0xa8: {  	_ =	swait.ge [sflag:s23], $0x1  }
0xa9: {  	[sflag:s23] =	ssyncset.done $0x0  }
0xaa: {  	s25 =	simm.s32 $0x1B8E;
	s24 =	sld [smem:$0x3FFE];
	[sflag:s23] =	ssyncadd.s32 $0xFFFFFFFF  }
0xab: {  	s26 =	simm.s32 $execute0_lowered;
	[smem:$0x3FD2] =	sst s25  }
0xac: {  	s6 =	sshll.u32 s26, $0x1;
	_ =	strace $0x80000049;
	[dreg:$0x1] =	wrdreg $0xFFFFFFFF  }
0xad: {  	s28 =	simm.s32 $_size_execute0_lowered;
	s4 =	sadd.s32 s4, s6;
	[dreg:$0x0] =	wrdreg $0x0  }
0xae: {  	s6 =	sshll.u32 s28, $0x1;
	[dreg:$0x2] =	wrdreg s4  }
0xaf: {  	[dreg:$0x3] =	wrdreg s6  }
0xb0: {  	[dreg:$0x4] =	wrdreg $0xC0  }
0xb1: {  	_ =	task [dreg:s8], $0x5FFFF  }
0xb2: {  	[dreg:$0x1] =	wrdreg $0xFFFFFFFF  }
0xb3: {  	[dreg:$0x0] =	wrdreg $0x60  }
0xb4: {  	[dreg:$0x2] =	wrdreg s24  }
0xb5: {  	[dreg:$0x3] =	wrdreg s16  }
0xb6: {  	[dreg:$0x4] =	wrdreg s17  }
0xb7: {  	[dreg:$0x5] =	wrdreg $0xA8000  }
0xb8: {  	[dreg:$0x6] =	wrdreg $0x9  }
0xb9: {  	_ =	task.clear_ibuf [dreg:s8], $0x7FFFF;
	_ =	strace $0x90000049  }
0xba: {  	s29 =	simm.s32 $0x9;
	_ =	strace $0x8000004B  }
0xbb: {  	_ =	swait.ge [sflag:s29], $0x1  }
0xbc: {  	[sflag:s29] =	ssyncadd.s32 $0xFFFFFFFF  }
0xbd: {  	_ =	strace $0x9000004B  }
0xbe: {  	_ =	sfence  }
0xbf: {  	s30 =	sld [smem:$0x0];
	_ =	sdelay $0x2  }
0xc0: {  	s31 =	sshll.u32 s1, $0xD;
	s1 =	sshrl.u32 s1, $0x2  }
0xc1: {  	s3 =	sand.u32 $0x4000, s31;
	s1 =	sadd.s32 s1, s30  }
0xc2: {  	s0 =	sor.u32 s3, s0;
	s1 =	sshll.u32 s1, $0x11  }
0xc3: {  	s0 =	sor.u32 s1, s0  }
0xc4: {  	s0 =	sadd.s32 $0x8F2B, s0  }
0xc5: {  	[sflag:s0] =	ssyncadd.remote.s32 $0x1  }
0xc6: {  	_ =	sfence.sel $0xFFFF  }
0xc7: {  	[dreg:$0x0] =	wrdreg $0xFFFFFFFF;
	(pc) =	sbr.abs _section_cstart, $3  }
0xc8: {  	[dreg:$0x1] =	wrdreg $0xFFFFFFFF  }
0xc9: {  	_ =	task.clear_ibuf [dreg:s8], $0x2FFFF;
	_ =	strace $0x9FFFFFFF  }
0xca: {  	(tm) =	ssettm $0x7FFFFFFF  }
0xcb: {  	_ =	shalt  }
tec
execute0_lowered:
.L_overlay_start_1:
0x0: {  	(tag) =	ssettag $0x1  }
0x1: {  	s7 =	rddreg [dreg:$0x0]  }
0x2: {  	s1 =	rddreg [dreg:$0x1]  }
0x3: {  	s2 =	rddreg [dreg:$0x2]  }
0x4: {  	s3 =	rddreg [dreg:$0x3];
	s4 =	srdreg.scid  }
0x5: {  	s0 =	rddreg [dreg:$0x4];
	s5 =	simm.s32 $0x0;
	s16 =	simm.s32 $0x80  }
0x6: {  	s17 =	simm.s32 $0x2800;
	s18 =	simm.s32 $0x1;
	s10 =	sand.u32 $0x1, s4  }
0x7: {  	s19 =	simm.s32 $0x6800;
	s4 =	stileid.u32;
	s8 =	smul.u32 $0x140000, s10  }
0x8: {  	s20 =	simm.s32 $0x2;
	s21 =	simm.s32 $0x1380;
	s9 =	smul.u32 $0x14000, s4  }
0x9: {  	s22 =	simm.s32 $0x2700;
	s23 =	simm.s32 $0x2780;
	s11 =	smul.u32 $0x50000, s4  }
0xa: {  	[smem:$0x7FF] =	sst s5;
	s6 =	sadd.s32 $0x52400, s7;
	s26 =	smul.u32 $0x28000, s10  }
0xb: {  	_ =	strace $0x8000004A;
	s12 =	ssub.s32 $0x2, s10;
	s13 =	smul.u32 $0x2800, s4  }
0xc: {  	s31 =	sshll.u32 s4, $0x6;
	s10 =	smul.u32 $0x50000, s10;
	s28 =	sshrl.u32 s12, $0x1  }
0xd: {  	s8 =	sadd.s32 s9, s8;
	s29 =	sshrl.u32 s11, $0x2;
	s12 =	ssub.s32 s12, s28  }
0xe: {  	s30 =	sadd.s32 s13, s26;
	s9 =	sor.u32 $0x1C03, s31;
	s8 =	sshrl.u32 s8, $0x3  }
0xf: {  	s15 =	sadd.s32 s29, s3;
	s12 =	smax.u32 s12, $0x1;
	s14 =	sadd.s32 s8, s7  }
0x10: {  	s7 =	sadd.s32 s6, s30;
	s8 =	smul.u32 $0xA0, s4;
	s13 =	sshrl.u32 s15, $0x3  }
0x11: {  	s15 =	simm.s32 $0x1400;
	s11 =	sadd.s32 $0xA2400, s14;
	s14 =	simm.s32 $0x3  }
.LBB2_1:
0x12: {  	[spmem:s13], [sflag:s9] =	dma.local [hbm:s7], $0x2800  }
0x13: {  	_ =	swait.ge [sflag:s14], $0x2800  }
0x14: {  	[sflag:s14] =	ssyncset.done $0x0  }
0x15: {  	[sflag:s14] =	ssyncadd.s32 $0xFFFFD800  }
0x16: {  	s24 =	simm.s32 $0x0;
	[bflag:$0x0] =	sbarrier.arrive $0xFFFF  }
.LBB2_2:
0x17: {  	s25 =	smul.u32 $0x28, s24;
	_ =	sdelay $0x1  }
0x18: {  	s25 =	sadd.s32 s8, s25  }
0x19: {  	s26 =	sshll.u32 s25, $0x7  }
0x1a: {  	s26 =	sadd.s32 s10, s26  }
0x1b: {  	s26 =	sshrl.u32 s26, $0x3  }
0x1c: {  	s28 =	simm.s32 $0x0;
	s26 =	sadd.s32 s1, s26  }
0x1d: {  	[tilespmem:s28], [sflag:$0x3] =	stream.linear.gather [hbm4b:s26+s28], $0x1400, $0x38;
	[tilespmem:$0x1E800] =	vst v63  }
0x1e: {  	_ =	swait.ge [sflag:s14], $0x1400  }
0x1f: {  	s25 =	sshll.u32 s25, $0x4;
	[sflag:s14] =	ssyncset.done $0x0  }
0x20: {  	s25 =	sadd.s32 s2, s25;
	[sflag:s14] =	ssyncadd.s32 $0xFFFFEC00  }
0x21: {  	[tilespmem:s15], [sflag:$0x3] =	stream.linear.gather [hbm4b:s25+s28], $0x1400, $0x38;
	[tilespmem:$0x1E800] =	vst v63  }
0x22: {  	_ =	swait.ge [sflag:s14], $0x1400  }
0x23: {  	[sflag:s14] =	ssyncset.done $0x0  }
0x24: {  	[sflag:s14] =	ssyncadd.s32 $0xFFFFEC00  }
0x25: {  	[tilespmem:s17], [sflag:$0x1] =	stream.indirect.gather [hbm4b:s6+s16], $0x80, s28, s16, $0xb8;
	[tilespmem:$0x1E800] =	vst v63  }
0x26: {  	_ =	swait.ge [sflag:s18], $0x4000  }
0x27: {  	[sflag:s18] =	ssyncset.done $0x0  }
0x28: {  	s28 =	simm.s32 $0x80;
	[sflag:s18] =	ssyncadd.s32 $0xFFFFC000  }
0x29: {  	[tilespmem:s19], [sflag:$0x2] =	stream.indirect.gather [hbm4b:s6+s16], $0x80, s28, s16, $0xb8;
	[tilespmem:$0x1E800] =	vst v63  }
0x2a: {  	s29 =	simm.s32 $0x1400  }
0x2b: {  	[spmem:s3] =	stream.indirect.scatter.add.f32 [tilespmem:s17], [sflag:$0x3], $0x80, s29, s16, $0xb8;
	[tilespmem:$0x1E800] =	vst v63  }
0x2c: {  	_ =	swait.ge [sflag:s14], $0x4000  }
0x2d: {  	[sflag:s14] =	ssyncset.done $0x0  }
0x2e: {  	[sflag:s14] =	ssyncadd.s32 $0xFFFFC000  }
0x2f: {  	_ =	swait.ge [sflag:s20], $0x4000  }
0x30: {  	[sflag:s20] =	ssyncset.done $0x0  }
0x31: {  	s30 =	simm.s32 $0x100;
	[sflag:s20] =	ssyncadd.s32 $0xFFFFC000  }
0x32: {  	[tilespmem:s17], [sflag:$0x1] =	stream.indirect.gather [hbm4b:s6+s16], $0x80, s30, s16, $0xb8;
	[tilespmem:$0x1E800] =	vst v63  }
0x33: {  	s31 =	simm.s32 $0x1480  }
0x34: {  	[spmem:s3] =	stream.indirect.scatter.add.f32 [tilespmem:s19], [sflag:$0x3], $0x80, s31, s16, $0xb8;
	[tilespmem:$0x1E800] =	vst v63  }
0x35: {  	_ =	swait.ge [sflag:s14], $0x4000  }
0x36: {  	s25 =	simm.s32 $0x400;
	[sflag:s14] =	ssyncset.done $0x0  }
.LBB2_3:
0x37: {  	p0 =	sne.s32 s25, $0x4800  }
0x38: {  	[sflag:s14] =	ssyncadd.s32 $0xFFFFC000;
	s26 =	smov.u32 s25;
	s25 =	sadd.s32 $0x400, s25  }
0x39: {  	_ = 	snop  }
0x3a: {  	_ =	swait.ge [sflag:s18], $0x4000  }
0x3b: {  	s26 =	sshra.s32 s26, $0x2;
	[sflag:s18] =	ssyncset.done $0x0  }
0x3c: {  	s28 =	sadd.s32 $0x80, s26;
	[sflag:s18] =	ssyncadd.s32 $0xFFFFC000  }
0x3d: {  	[tilespmem:s19], [sflag:$0x2] =	stream.indirect.gather [hbm4b:s6+s16], $0x80, s28, s16, $0xb8;
	[tilespmem:$0x1E800] =	vst v63  }
0x3e: {  	s28 =	sadd.s32 $0x1400, s26  }
0x3f: {  	[spmem:s3] =	stream.indirect.scatter.add.f32 [tilespmem:s17], [sflag:$0x3], $0x80, s28, s16, $0xb8;
	[tilespmem:$0x1E800] =	vst v63  }
0x40: {  	_ =	swait.ge [sflag:s14], $0x4000  }
0x41: {  	[sflag:s14] =	ssyncset.done $0x0  }
0x42: {  	[sflag:s14] =	ssyncadd.s32 $0xFFFFC000  }
0x43: {  	_ =	swait.ge [sflag:s20], $0x4000  }
0x44: {  	[sflag:s20] =	ssyncset.done $0x0  }
0x45: {  	s28 =	sadd.s32 $0x100, s26;
	[sflag:s20] =	ssyncadd.s32 $0xFFFFC000  }
0x46: {  	[tilespmem:s17], [sflag:$0x1] =	stream.indirect.gather [hbm4b:s6+s16], $0x80, s28, s16, $0xb8;
	[tilespmem:$0x1E800] =	vst v63  }
.Ltmp0:
0x47: {  	_ = 	snop;
	(pc) =	sbr.rel @p0 .LBB2_3-.Ltmp0, $4  }
0x48: {  	s26 =	sadd.s32 $0x1480, s26  }
0x49: {  	[spmem:s3] =	stream.indirect.scatter.add.f32 [tilespmem:s19], [sflag:$0x3], $0x80, s26, s16, $0xb8;
	[tilespmem:$0x1E800] =	vst v63  }
0x4a: {  	_ =	swait.ge [sflag:s14], $0x4000  }
0x4b: {  	[sflag:s14] =	ssyncset.done $0x0  }
0x4c: {  	[sflag:s14] =	ssyncadd.s32 $0xFFFFC000  }
0x4d: {  	_ =	swait.ge [sflag:s18], $0x4000  }
0x4e: {  	[sflag:s18] =	ssyncset.done $0x0  }
0x4f: {  	[sflag:s18] =	ssyncadd.s32 $0xFFFFC000  }
0x50: {  	[tilespmem:s19], [sflag:$0x2] =	stream.indirect.gather [hbm4b:s6+s16], $0x80, s21, s16, $0xb8;
	[tilespmem:$0x1E800] =	vst v63  }
0x51: {  	_ = 	snop  }
0x52: {  	[spmem:s3] =	stream.indirect.scatter.add.f32 [tilespmem:s17], [sflag:$0x3], $0x80, s22, s16, $0xb8;
	[tilespmem:$0x1E800] =	vst v63  }
0x53: {  	_ =	swait.ge [sflag:s14], $0x4000  }
0x54: {  	[sflag:s14] =	ssyncset.done $0x0  }
0x55: {  	[sflag:s14] =	ssyncadd.s32 $0xFFFFC000  }
0x56: {  	s24 =	sadd.s32 $0x1, s24;
	_ =	swait.ge [sflag:s20], $0x4000  }
0x57: {  	p0 =	sne.s32 s24, $0x4;
	[sflag:s20] =	ssyncset.done $0x0  }
.Ltmp1:
0x58: {  	[sflag:s20] =	ssyncadd.s32 $0xFFFFC000;
	(pc) =	sbr.rel @p0 .LBB2_2-.Ltmp1, $4  }
0x59: {  	[spmem:s3] =	stream.indirect.scatter.add.f32 [tilespmem:s19], [sflag:$0x3], $0x80, s23, s16, $0xb8;
	[tilespmem:$0x1E800] =	vst v63  }
0x5a: {  	_ =	swait.ge [sflag:s14], $0x4000  }
0x5b: {  	[sflag:s14] =	ssyncset.done $0x0  }
0x5c: {  	[sflag:s14] =	ssyncadd.s32 $0xFFFFC000  }
0x5d: {  	s5 =	sadd.s32 $0x1, s5  }
0x5e: {  	p0 =	sne.s32 s5, s12  }
.Ltmp2:
0x5f: {  	[bflag:$0x0] =	sbarrier.arrive $0xFFFF;
	(pc) =	sbr.rel @p0 .LBB2_1-.Ltmp2, $4  }
0x60: {  	[hbm:s11], [sflag:s9] =	dma.local [spmem:s13], $0x2800  }
0x61: {  	_ =	swait.ge [sflag:s14], $0x2800  }
0x62: {  	[sflag:s14] =	ssyncset.done $0x0  }
0x63: {  	[sflag:s14] =	ssyncadd.s32 $0xFFFFD800  }
0x64: {  	_ =	sfence.sel $0x180000  }
0x65: {  	[bflag:$0x0] =	sbarrier.arrive $0xFFFF  }
0x66: {  	p0 =	sne.s32 s4, $0x0;
	_ =	strace $0x9000004A  }
0x67: {  	s0 =	sadd.s32 @!p0 $0x100000, s0;
	[bflag:$0x2] =	sbarrier.arrive $0xFFFF  }
0x68: {  	[sflag:s0] =	ssyncadd.tile.s32 @!p0 $0x1;
	_ =	shalt  }
.Lfunc_end2:
_tile_overlayer_lowered:
.L_overlay_start_2:
0x69: {  	(tag) =	ssettag $0x2  }
0x6a: {  	s0 =	rddreg [dreg:$0x0];
	s2 =	stileid.u32  }
0x6b: {  	s1 =	rddreg [dreg:$0x1];
	p0 =	sne.s32 s2, $0x0  }
0x6c: {  	s3 =	rddreg [dreg:$0x2];
	[bflag:$0x3] =	sbarrier.arrive $0xFFFF;
	s2 =	simm.s32 @!p0 $0x1C03  }
0x6d: {  	[timem:s3], [sflag:s2] =	dma.local @!p0 [hbm:s0], s1  }
0x6e: {  	s0 =	simm.s32 @!p0 $0x3  }
0x6f: {  	_ =	swait.ge @!p0 [sflag:s0], s1  }
0x70: {  	s1 =	ssub.s32 @!p0 $0x0, s1;
	[sflag:s0] =	ssyncset.done @!p0 $0x0  }
0x71: {  	[sflag:s0] =	ssyncadd.s32 @!p0 s1  }
0x72: {  	[bflag:$0x3] =	sbarrier.arrive $0xFFFF  }
0x73: {  	_ =	shalt  }

</sc_bundles>
